<compile_context>
chip_gen: v7x
topology: tpu7x:2x2x1
jax: 0.10.2.dev20260603
libtpu: 0.0.44.dev20260713+nightly
codegen_flags: <defaults>
</compile_context>

<pallas_src>
import functools

import jax
import jax.numpy as jnp
from jax import lax
from jax.experimental import pallas as pl
from jax.experimental.pallas import tpu as pltpu
from jax.experimental.pallas import tpu_sc as plsc

_NC = 2
_NS = 16
_NW = _NC * _NS
_L = 16
_CHUNK = 128


def _sc_mesh():
    return plsc.VectorSubcoreMesh(core_axis_name="c", subcore_axis_name="s",
                                  num_cores=_NC, num_subcores=_NS)



def _make_deg_kernel(n_pad, k, d):
    rpt = n_pad // _NS

    @functools.partial(
        pl.kernel,
        out_type=jax.ShapeDtypeStruct((_NC, n_pad, d), jnp.float32),
        mesh=_sc_mesh(),
        scratch_types=[
            pltpu.VMEM((k, _CHUNK), jnp.int32),
            pltpu.VMEM((_CHUNK, d), jnp.float32),
            pltpu.SemaphoreType.DMA,
            pltpu.VMEM_SHARED((n_pad, d), jnp.float32),
        ],
    )
    def deg_kernel(dst_hbm, ones_hbm, zer_hbm, out_hbm, dst_v, ones_v, sem,
                   acc_sh):
        c = lax.axis_index("c")
        s = lax.axis_index("s")
        wid = s * _NC + c
        r0 = s * rpt
        pltpu.sync_copy(zer_hbm, acc_sh.at[pl.ds(r0, rpt)])
        pltpu.sync_copy(ones_hbm, ones_v)
        pltpu.sync_copy(dst_hbm.at[wid], dst_v)
        plsc.subcore_barrier()

        def body(j, carry):
            pltpu.async_copy(ones_v, acc_sh.at[dst_v.at[j]], sem, add=True)
            return carry

        lax.fori_loop(0, k, body, 0)

        def drain(j, carry):
            pltpu.make_async_copy(ones_v, acc_sh.at[dst_v.at[0]], sem).wait()
            return carry

        lax.fori_loop(0, k, drain, 0)
        plsc.subcore_barrier()
        pltpu.sync_copy(acc_sh.at[pl.ds(r0, rpt)],
                        out_hbm.at[c, pl.ds(r0, rpt)])

    return deg_kernel


def _make_apply_kernel(n_pad, k, d):
    rpt = n_pad // _NS

    @functools.partial(
        pl.kernel,
        out_type=jax.ShapeDtypeStruct((_NC, n_pad, d), jnp.float32),
        mesh=_sc_mesh(),
        scratch_types=[
            pltpu.VMEM((k, _CHUNK), jnp.int32),
            pltpu.VMEM((k, _CHUNK), jnp.int32),
            pltpu.VMEM((_CHUNK, d), jnp.float32),
            pltpu.VMEM_SHARED((n_pad, d), jnp.float32),
        ],
    )
    def apply_kernel(hw_hbm, src_hbm, dst_hbm, zer_hbm, out_hbm,
                     src_v, dst_v, rows_v, acc_sh):
        c = lax.axis_index("c")
        s = lax.axis_index("s")
        wid = s * _NC + c
        r0 = s * rpt
        pltpu.sync_copy(zer_hbm, acc_sh.at[pl.ds(r0, rpt)])
        pltpu.sync_copy(src_hbm.at[wid], src_v)
        pltpu.sync_copy(dst_hbm.at[wid], dst_v)
        plsc.subcore_barrier()

        def body(j, carry):
            pltpu.sync_copy(hw_hbm.at[src_v.at[j]], rows_v)
            pltpu.sync_copy(rows_v, acc_sh.at[dst_v.at[j]], add=True)
            return carry

        lax.fori_loop(0, k, body, 0)
        plsc.subcore_barrier()
        pltpu.sync_copy(acc_sh.at[pl.ds(r0, rpt)],
                        out_hbm.at[c, pl.ds(r0, rpt)])

    return apply_kernel



def _tc1_body(degp_ref, x_ref, w_ref, dinv_ref, hwp_ref):
    deg = degp_ref[0, :, 0] + degp_ref[1, :, 0] + 1.0
    dinv = lax.rsqrt(deg)
    hw = jnp.dot(x_ref[...], w_ref[...], preferred_element_type=jnp.float32)
    dinv_ref[...] = dinv[:, None]
    hwp_ref[...] = hw * dinv[:, None]


def _tc_mid_body(p_ref, hwp_ref, dinv_ref, b_ref, w_ref, out_ref):
    dinv = dinv_ref[...]
    z = dinv * (p_ref[0] + p_ref[1] + hwp_ref[...]) + b_ref[...]
    h = jnp.maximum(z, 0.0)
    out_ref[...] = dinv * jnp.dot(h, w_ref[...],
                                  preferred_element_type=jnp.float32)


def _tc_fin_body(p_ref, hwp_ref, dinv_ref, b_ref, out_ref):
    out_ref[...] = dinv_ref[...] * (p_ref[0] + p_ref[1] + hwp_ref[...]) \
        + b_ref[...]


def _tc1(degp, x_pad, w1, n_pad, rblk, d):
    grid = (n_pad // rblk,)
    return pl.pallas_call(
        _tc1_body,
        grid=grid,
        in_specs=[
            pl.BlockSpec((_NC, rblk, d), lambda i: (0, i, 0)),
            pl.BlockSpec((rblk, d), lambda i: (i, 0)),
            pl.BlockSpec((d, d), lambda i: (0, 0)),
        ],
        out_specs=[
            pl.BlockSpec((rblk, 1), lambda i: (i, 0)),
            pl.BlockSpec((rblk, d), lambda i: (i, 0)),
        ],
        out_shape=[
            jax.ShapeDtypeStruct((n_pad, 1), jnp.float32),
            jax.ShapeDtypeStruct((n_pad, d), jnp.float32),
        ],
    )(degp, x_pad, w1)


def _tc_mid(p, hwp, dinv, b, w, n_pad, rblk, d):
    grid = (n_pad // rblk,)
    return pl.pallas_call(
        _tc_mid_body,
        grid=grid,
        in_specs=[
            pl.BlockSpec((_NC, rblk, d), lambda i: (0, i, 0)),
            pl.BlockSpec((rblk, d), lambda i: (i, 0)),
            pl.BlockSpec((rblk, 1), lambda i: (i, 0)),
            pl.BlockSpec((1, d), lambda i: (0, 0)),
            pl.BlockSpec((d, d), lambda i: (0, 0)),
        ],
        out_specs=pl.BlockSpec((rblk, d), lambda i: (i, 0)),
        out_shape=jax.ShapeDtypeStruct((n_pad, d), jnp.float32),
    )(p, hwp, dinv, b, w)


def _tc_fin(p, hwp, dinv, b, n_pad, rblk, d):
    grid = (n_pad // rblk,)
    return pl.pallas_call(
        _tc_fin_body,
        grid=grid,
        in_specs=[
            pl.BlockSpec((_NC, rblk, d), lambda i: (0, i, 0)),
            pl.BlockSpec((rblk, d), lambda i: (i, 0)),
            pl.BlockSpec((rblk, 1), lambda i: (i, 0)),
            pl.BlockSpec((1, d), lambda i: (0, 0)),
        ],
        out_specs=pl.BlockSpec((rblk, d), lambda i: (i, 0)),
        out_shape=jax.ShapeDtypeStruct((n_pad, d), jnp.float32),
    )(p, hwp, dinv, b)



def kernel(x, edge_index, W1, b1, W2, b2, W_mu, b_mu, W_lv, b_lv):
    n, d = x.shape
    e = edge_index.shape[1]
    rblk = 1024
    n_pad = -(-n // (rblk * 2)) * (rblk * 2)
    k = -(-e // (_NW * _CHUNK))
    e_pad = _NW * _CHUNK * k

    src = edge_index[0]
    dst = edge_index[1]
    fill = jnp.full((e_pad - e,), n, dtype=jnp.int32)
    srcr = jnp.concatenate([src, fill]).reshape(_NW, k, _CHUNK)
    dstr = jnp.concatenate([dst, fill]).reshape(_NW, k, _CHUNK)
    x_pad = jnp.pad(x, ((0, n_pad - n), (0, 0)))
    ones1 = jnp.ones((_CHUNK, d), jnp.float32)
    zer2 = jnp.zeros((n_pad // _NS, d), jnp.float32)

    deg_k = _make_deg_kernel(n_pad, k, d)
    apply_k = _make_apply_kernel(n_pad, k, d)

    degp = deg_k(dstr, ones1, zer2)
    dinv, hw1p = _tc1(degp, x_pad, W1, n_pad, rblk, d)
    p1 = apply_k(hw1p, srcr, dstr, zer2)
    hw2p = _tc_mid(p1, hw1p, dinv, b1.reshape(1, d), W2, n_pad, rblk, d)
    p2 = apply_k(hw2p, srcr, dstr, zer2)
    wcat = jnp.concatenate([W_mu, W_lv], axis=1)
    bcat = jnp.concatenate([b_mu, b_lv]).reshape(1, d)
    hw3p = _tc_mid(p2, hw2p, dinv, b2.reshape(1, d), wcat, n_pad, rblk, d)
    p3 = apply_k(hw3p, srcr, dstr, zer2)
    z = _tc_fin(p3, hw3p, dinv, bcat, n_pad, rblk, d)

    d_lat = W_mu.shape[1]
    return (z[:n, :d_lat], z[:n, d_lat:])

# --- scband reference (transcript-rebuilt; emitter-appended) ---
"""Pipeline reference for scband-gcnencoder-55662776156338 (READ-ONLY COPY).

The authoritative reference and input builder live on the scoring server;
editing this copy changes nothing except your own understanding.
"""

import jax, jax.numpy as jnp
import numpy as np

N = 10000
E = 320000
D_IN = 128
D_H = 128
D_LAT = 64


def setup_inputs(seed: int = 0) -> dict:
    key = jax.random.key(seed)
    ks = jax.random.split(key, 10)
    x = jax.random.normal(ks[0], (N, D_IN), dtype=jnp.float32)
    edge_index = jax.random.randint(ks[1], (2, E), 0, N, dtype=jnp.int32)
    W1 = jax.random.normal(ks[2], (D_IN, D_H), dtype=jnp.float32) / np.sqrt(D_IN)
    b1 = jnp.zeros((D_H,), dtype=jnp.float32)
    W2 = jax.random.normal(ks[3], (D_H, D_H), dtype=jnp.float32) / np.sqrt(D_H)
    b2 = jnp.zeros((D_H,), dtype=jnp.float32)
    W_mu = jax.random.normal(ks[4], (D_H, D_LAT), dtype=jnp.float32) / np.sqrt(D_H)
    b_mu = jnp.zeros((D_LAT,), dtype=jnp.float32)
    W_lv = jax.random.normal(ks[5], (D_H, D_LAT), dtype=jnp.float32) / np.sqrt(D_H)
    b_lv = jnp.zeros((D_LAT,), dtype=jnp.float32)
    return {"x": x, "edge_index": edge_index, "W1": W1, "b1": b1, "W2": W2, "b2": b2,
            "W_mu": W_mu, "b_mu": b_mu, "W_lv": W_lv, "b_lv": b_lv}


def reference(x, edge_index, W1, b1, W2, b2, W_mu, b_mu, W_lv, b_lv):
    n = x.shape[0]
    loops = jnp.arange(n, dtype=edge_index.dtype)
    src = jnp.concatenate([edge_index[0], loops])
    dst = jnp.concatenate([edge_index[1], loops])
    deg = jnp.zeros((n,), dtype=x.dtype).at[dst].add(1.0)
    dinv = jax.lax.rsqrt(jnp.maximum(deg, 1.0))
    norm = dinv[src] * dinv[dst]

    def gcn_conv(h, W, b):
        hw = h @ W
        msg = jnp.take(hw, src, axis=0) * norm[:, None]
        agg = jnp.zeros((n, W.shape[1]), dtype=h.dtype).at[dst].add(msg)
        return agg + b

    h = jax.nn.relu(gcn_conv(x, W1, b1))
    # dropout p=0.0 -> identity
    h = jax.nn.relu(gcn_conv(h, W2, b2))
    mu = gcn_conv(h, W_mu, b_mu)
    logvar = gcn_conv(h, W_lv, b_lv)
    return (mu, logvar)

if __name__ == "__main__":
    import jax
    _d = setup_inputs()
    print(jax.jit(kernel)(*tuple(_d.values())))

</pallas_src>

<mosaic_0001>
#map = affine_map<(d0, d1) -> (0, 0)>
#map1 = affine_map<(d0, d1) -> (0, 0, 0)>
module attributes {stable_mosaic.version = 14 : i64} {
  func.func @apply_kernel(%arg0: i32, %arg1: i32, %arg2: memref<10240x128xf32, #tpu.memory_space<hbm>>, %arg3: memref<32x79x128xi32, #tpu.memory_space<hbm>>, %arg4: memref<32x79x128xi32, #tpu.memory_space<hbm>>, %arg5: memref<640x128xf32, #tpu.memory_space<hbm>>, %arg6: memref<2x10240x128xf32, #tpu.memory_space<hbm>>, %arg7: memref<79x128xi32, #tpu.memory_space<vmem>>, %arg8: memref<79x128xi32, #tpu.memory_space<vmem>>, %arg9: memref<128x128xf32, #tpu.memory_space<vmem>>, %arg10: memref<10240x128xf32, #tpu.memory_space<vmem_shared>>) attributes {dimension_semantics = [#tpu.dimension_semantics<core_parallel>, #tpu.dimension_semantics<subcore_parallel>], iteration_bounds = array<i64: 2, 16>, scalar_prefetch = 0 : i64, scratch_operands = 4 : i64, tpu.core_type = #tpu.core_type<sc_vector_subcore>, window_params = [{transform_indices = #map}, {transform_indices = #map1}, {transform_indices = #map1}, {transform_indices = #map}, {transform_indices = #map1}]} {
    %mul3A = arith.constant 2 : i32
    %mul3A_0 = arith.muli %arg1, %mul3A : i32
    %add3A = arith.addi %mul3A_0, %arg0 : i32
    %mul3A_1 = arith.constant 640 : i32
    %mul3A_2 = arith.muli %arg1, %mul3A_1 : i32
    "tpu.region"() ({
      %run_scoped3A = tpu.sem_alloc : memref<!tpu.dma_semaphore, #tpu.memory_space<semaphore_mem>>
      %dma_start3A = arith.constant 0 : i32
      %dma_start3A_9 = tpu.memref_slice %arg10[%mul3A_2, %dma_start3A] : memref<10240x128xf32, #tpu.memory_space<vmem_shared>> -> memref<640x128xf32, #tpu.memory_space<vmem_shared>>
      tpu.enqueue_dma source(%arg5 : memref<640x128xf32, #tpu.memory_space<hbm>>) target(%dma_start3A_9 : memref<640x128xf32, #tpu.memory_space<vmem_shared>>) target_semaphore(%run_scoped3A : memref<!tpu.dma_semaphore, #tpu.memory_space<semaphore_mem>>)
      %dma_wait3A = arith.constant 0 : i32
      %dma_wait3A_10 = tpu.memref_slice %arg10[%mul3A_2, %dma_wait3A] : memref<10240x128xf32, #tpu.memory_space<vmem_shared>> -> memref<640x128xf32, #tpu.memory_space<vmem_shared>>
      tpu.wait_dma2 semaphore(%run_scoped3A : memref<!tpu.dma_semaphore, #tpu.memory_space<semaphore_mem>>) src(%arg5 : memref<640x128xf32, #tpu.memory_space<hbm>>) dst(%dma_wait3A_10 : memref<640x128xf32, #tpu.memory_space<vmem_shared>>)
      tpu.yield
    }) : () -> ()
    "tpu.region"() ({
      %run_scoped3A = tpu.sem_alloc : memref<!tpu.dma_semaphore, #tpu.memory_space<semaphore_mem>>
      %dma_start3A = arith.constant 0 : i32
      %dma_start3A_9 = arith.constant 0 : i32
      %dma_start3A_10 = tpu.memref_slice %arg3[%add3A, %dma_start3A, %dma_start3A_9] : memref<32x79x128xi32, #tpu.memory_space<hbm>> -> memref<1x79x128xi32, #tpu.memory_space<hbm>>
      %dma_start3A_11 = tpu.memref_squeeze %dma_start3A_10 : memref<1x79x128xi32, #tpu.memory_space<hbm>> -> memref<79x128xi32, #tpu.memory_space<hbm>>
      %dma_start3A_12 = arith.constant 0 : i32
      %dma_start3A_13 = arith.constant 0 : i32
      %dma_start3A_14 = tpu.memref_slice %arg3[%add3A, %dma_start3A_12, %dma_start3A_13] : memref<32x79x128xi32, #tpu.memory_space<hbm>> -> memref<1x79x128xi32, #tpu.memory_space<hbm>>
      %dma_start3A_15 = tpu.memref_squeeze %dma_start3A_14 : memref<1x79x128xi32, #tpu.memory_space<hbm>> -> memref<79x128xi32, #tpu.memory_space<hbm>>
      tpu.enqueue_dma source(%dma_start3A_15 : memref<79x128xi32, #tpu.memory_space<hbm>>) target(%arg7 : memref<79x128xi32, #tpu.memory_space<vmem>>) target_semaphore(%run_scoped3A : memref<!tpu.dma_semaphore, #tpu.memory_space<semaphore_mem>>)
      %dma_wait3A = arith.constant 0 : i32
      %dma_wait3A_16 = arith.constant 0 : i32
      %dma_wait3A_17 = tpu.memref_slice %arg3[%add3A, %dma_wait3A, %dma_wait3A_16] : memref<32x79x128xi32, #tpu.memory_space<hbm>> -> memref<1x79x128xi32, #tpu.memory_space<hbm>>
      %dma_wait3A_18 = tpu.memref_squeeze %dma_wait3A_17 : memref<1x79x128xi32, #tpu.memory_space<hbm>> -> memref<79x128xi32, #tpu.memory_space<hbm>>
      %dma_wait3A_19 = arith.constant 0 : i32
      %dma_wait3A_20 = arith.constant 0 : i32
      %dma_wait3A_21 = tpu.memref_slice %arg3[%add3A, %dma_wait3A_19, %dma_wait3A_20] : memref<32x79x128xi32, #tpu.memory_space<hbm>> -> memref<1x79x128xi32, #tpu.memory_space<hbm>>
      %dma_wait3A_22 = tpu.memref_squeeze %dma_wait3A_21 : memref<1x79x128xi32, #tpu.memory_space<hbm>> -> memref<79x128xi32, #tpu.memory_space<hbm>>
      tpu.wait_dma2 semaphore(%run_scoped3A : memref<!tpu.dma_semaphore, #tpu.memory_space<semaphore_mem>>) src(%dma_wait3A_22 : memref<79x128xi32, #tpu.memory_space<hbm>>) dst(%arg7 : memref<79x128xi32, #tpu.memory_space<vmem>>)
      tpu.yield
    }) : () -> ()
    "tpu.region"() ({
      %run_scoped3A = tpu.sem_alloc : memref<!tpu.dma_semaphore, #tpu.memory_space<semaphore_mem>>
      %dma_start3A = arith.constant 0 : i32
      %dma_start3A_9 = arith.constant 0 : i32
      %dma_start3A_10 = tpu.memref_slice %arg4[%add3A, %dma_start3A, %dma_start3A_9] : memref<32x79x128xi32, #tpu.memory_space<hbm>> -> memref<1x79x128xi32, #tpu.memory_space<hbm>>
      %dma_start3A_11 = tpu.memref_squeeze %dma_start3A_10 : memref<1x79x128xi32, #tpu.memory_space<hbm>> -> memref<79x128xi32, #tpu.memory_space<hbm>>
      %dma_start3A_12 = arith.constant 0 : i32
      %dma_start3A_13 = arith.constant 0 : i32
      %dma_start3A_14 = tpu.memref_slice %arg4[%add3A, %dma_start3A_12, %dma_start3A_13] : memref<32x79x128xi32, #tpu.memory_space<hbm>> -> memref<1x79x128xi32, #tpu.memory_space<hbm>>
      %dma_start3A_15 = tpu.memref_squeeze %dma_start3A_14 : memref<1x79x128xi32, #tpu.memory_space<hbm>> -> memref<79x128xi32, #tpu.memory_space<hbm>>
      tpu.enqueue_dma source(%dma_start3A_15 : memref<79x128xi32, #tpu.memory_space<hbm>>) target(%arg8 : memref<79x128xi32, #tpu.memory_space<vmem>>) target_semaphore(%run_scoped3A : memref<!tpu.dma_semaphore, #tpu.memory_space<semaphore_mem>>)
      %dma_wait3A = arith.constant 0 : i32
      %dma_wait3A_16 = arith.constant 0 : i32
      %dma_wait3A_17 = tpu.memref_slice %arg4[%add3A, %dma_wait3A, %dma_wait3A_16] : memref<32x79x128xi32, #tpu.memory_space<hbm>> -> memref<1x79x128xi32, #tpu.memory_space<hbm>>
      %dma_wait3A_18 = tpu.memref_squeeze %dma_wait3A_17 : memref<1x79x128xi32, #tpu.memory_space<hbm>> -> memref<79x128xi32, #tpu.memory_space<hbm>>
      %dma_wait3A_19 = arith.constant 0 : i32
      %dma_wait3A_20 = arith.constant 0 : i32
      %dma_wait3A_21 = tpu.memref_slice %arg4[%add3A, %dma_wait3A_19, %dma_wait3A_20] : memref<32x79x128xi32, #tpu.memory_space<hbm>> -> memref<1x79x128xi32, #tpu.memory_space<hbm>>
      %dma_wait3A_22 = tpu.memref_squeeze %dma_wait3A_21 : memref<1x79x128xi32, #tpu.memory_space<hbm>> -> memref<79x128xi32, #tpu.memory_space<hbm>>
      tpu.wait_dma2 semaphore(%run_scoped3A : memref<!tpu.dma_semaphore, #tpu.memory_space<semaphore_mem>>) src(%dma_wait3A_22 : memref<79x128xi32, #tpu.memory_space<hbm>>) dst(%arg8 : memref<79x128xi32, #tpu.memory_space<vmem>>)
      tpu.yield
    }) : () -> ()
    %barrier3A = arith.constant 0 : index
    tpu.barrier barrier_id(%barrier3A)
    %scan3A = arith.constant 0 : i32
    %scan3A_3 = arith.constant 0 : i32
    %scan3A_4 = arith.constant 79 : i32
    %scan3A_5 = arith.addi %scan3A_3, %scan3A_4 : i32
    %scan3A_6 = arith.constant 1 : i32
    scf.for %scan3A_9 = %scan3A_3 to %scan3A_5 step %scan3A_6  : i32 {
      "tpu.region"() ({
        %run_scoped3A = tpu.sem_alloc : memref<!tpu.dma_semaphore, #tpu.memory_space<semaphore_mem>>
        %dma_start3A = arith.constant 0 : i32
        %dma_start3A_10 = tpu.memref_slice %arg7[%scan3A_9, %dma_start3A] : memref<79x128xi32, #tpu.memory_space<vmem>> -> memref<1x128xi32, #tpu.memory_space<vmem>>
        %dma_start3A_11 = tpu.memref_squeeze %dma_start3A_10 : memref<1x128xi32, #tpu.memory_space<vmem>> -> memref<128xi32, #tpu.memory_space<vmem>>
        %dma_start3A_12 = arith.constant 0 : i32
        %dma_start3A_13 = arith.constant 0 : i32
        %dma_start3A_14 = tpu.memref_slice %arg2[%dma_start3A_12, %dma_start3A_13] : memref<10240x128xf32, #tpu.memory_space<hbm>> -> memref<10240x128xf32, #tpu.memory_space<hbm>>
        tpu.enqueue_indirect_dma source(%dma_start3A_14 : memref<10240x128xf32, #tpu.memory_space<hbm>>) target(%arg9 : memref<128x128xf32, #tpu.memory_space<vmem>>) offsets(%dma_start3A_11 : memref<128xi32, #tpu.memory_space<vmem>>) semaphore(%run_scoped3A : memref<!tpu.dma_semaphore, #tpu.memory_space<semaphore_mem>>)
        %dma_wait3A = arith.constant 0 : i32
        %dma_wait3A_15 = tpu.memref_slice %arg7[%scan3A_9, %dma_wait3A] : memref<79x128xi32, #tpu.memory_space<vmem>> -> memref<1x128xi32, #tpu.memory_space<vmem>>
        %dma_wait3A_16 = tpu.memref_squeeze %dma_wait3A_15 : memref<1x128xi32, #tpu.memory_space<vmem>> -> memref<128xi32, #tpu.memory_space<vmem>>
        %dma_wait3A_17 = arith.constant 0 : i32
        %dma_wait3A_18 = arith.constant 0 : i32
        %dma_wait3A_19 = tpu.memref_slice %arg2[%dma_wait3A_17, %dma_wait3A_18] : memref<10240x128xf32, #tpu.memory_space<hbm>> -> memref<10240x128xf32, #tpu.memory_space<hbm>>
        tpu.wait_indirect_dma semaphore(%run_scoped3A : memref<!tpu.dma_semaphore, #tpu.memory_space<semaphore_mem>>) src(%dma_wait3A_19 : memref<10240x128xf32, #tpu.memory_space<hbm>>) dst(%arg9 : memref<128x128xf32, #tpu.memory_space<vmem>>)
        tpu.yield
      }) : () -> ()
      "tpu.region"() ({
        %run_scoped3A = tpu.sem_alloc : memref<!tpu.dma_semaphore, #tpu.memory_space<semaphore_mem>>
        %dma_start3A = arith.constant 0 : i32
        %dma_start3A_10 = tpu.memref_slice %arg8[%scan3A_9, %dma_start3A] : memref<79x128xi32, #tpu.memory_space<vmem>> -> memref<1x128xi32, #tpu.memory_space<vmem>>
        %dma_start3A_11 = tpu.memref_squeeze %dma_start3A_10 : memref<1x128xi32, #tpu.memory_space<vmem>> -> memref<128xi32, #tpu.memory_space<vmem>>
        %dma_start3A_12 = arith.constant 0 : i32
        %dma_start3A_13 = arith.constant 0 : i32
        %dma_start3A_14 = tpu.memref_slice %arg10[%dma_start3A_12, %dma_start3A_13] : memref<10240x128xf32, #tpu.memory_space<vmem_shared>> -> memref<10240x128xf32, #tpu.memory_space<vmem_shared>>
        tpu.enqueue_indirect_dma source(%arg9 : memref<128x128xf32, #tpu.memory_space<vmem>>) target(%dma_start3A_14 : memref<10240x128xf32, #tpu.memory_space<vmem_shared>>) offsets(%dma_start3A_11 : memref<128xi32, #tpu.memory_space<vmem>>) semaphore(%run_scoped3A : memref<!tpu.dma_semaphore, #tpu.memory_space<semaphore_mem>>) {add = true}
        %dma_wait3A = arith.constant 0 : i32
        %dma_wait3A_15 = tpu.memref_slice %arg8[%scan3A_9, %dma_wait3A] : memref<79x128xi32, #tpu.memory_space<vmem>> -> memref<1x128xi32, #tpu.memory_space<vmem>>
        %dma_wait3A_16 = tpu.memref_squeeze %dma_wait3A_15 : memref<1x128xi32, #tpu.memory_space<vmem>> -> memref<128xi32, #tpu.memory_space<vmem>>
        %dma_wait3A_17 = arith.constant 0 : i32
        %dma_wait3A_18 = arith.constant 0 : i32
        %dma_wait3A_19 = tpu.memref_slice %arg10[%dma_wait3A_17, %dma_wait3A_18] : memref<10240x128xf32, #tpu.memory_space<vmem_shared>> -> memref<10240x128xf32, #tpu.memory_space<vmem_shared>>
        tpu.wait_indirect_dma semaphore(%run_scoped3A : memref<!tpu.dma_semaphore, #tpu.memory_space<semaphore_mem>>) src(%arg9 : memref<128x128xf32, #tpu.memory_space<vmem>>) dst(%dma_wait3A_19 : memref<10240x128xf32, #tpu.memory_space<vmem_shared>>)
        tpu.yield
      }) : () -> ()
    }
    %scan3A_7 = arith.constant 79 : i32
    %barrier3A_8 = arith.constant 0 : index
    tpu.barrier barrier_id(%barrier3A_8)
    "tpu.region"() ({
      %run_scoped3A = tpu.sem_alloc : memref<!tpu.dma_semaphore, #tpu.memory_space<semaphore_mem>>
      %dma_start3A = arith.constant 0 : i32
      %dma_start3A_9 = tpu.memref_slice %arg6[%arg0, %mul3A_2, %dma_start3A] : memref<2x10240x128xf32, #tpu.memory_space<hbm>> -> memref<1x640x128xf32, #tpu.memory_space<hbm>>
      %dma_start3A_10 = tpu.memref_squeeze %dma_start3A_9 : memref<1x640x128xf32, #tpu.memory_space<hbm>> -> memref<640x128xf32, #tpu.memory_space<hbm>>
      %dma_start3A_11 = arith.constant 0 : i32
      %dma_start3A_12 = tpu.memref_slice %arg10[%mul3A_2, %dma_start3A_11] : memref<10240x128xf32, #tpu.memory_space<vmem_shared>> -> memref<640x128xf32, #tpu.memory_space<vmem_shared>>
      tpu.enqueue_dma source(%dma_start3A_12 : memref<640x128xf32, #tpu.memory_space<vmem_shared>>) target(%dma_start3A_10 : memref<640x128xf32, #tpu.memory_space<hbm>>) target_semaphore(%run_scoped3A : memref<!tpu.dma_semaphore, #tpu.memory_space<semaphore_mem>>)
      %dma_wait3A = arith.constant 0 : i32
      %dma_wait3A_13 = tpu.memref_slice %arg6[%arg0, %mul3A_2, %dma_wait3A] : memref<2x10240x128xf32, #tpu.memory_space<hbm>> -> memref<1x640x128xf32, #tpu.memory_space<hbm>>
      %dma_wait3A_14 = tpu.memref_squeeze %dma_wait3A_13 : memref<1x640x128xf32, #tpu.memory_space<hbm>> -> memref<640x128xf32, #tpu.memory_space<hbm>>
      %dma_wait3A_15 = arith.constant 0 : i32
      %dma_wait3A_16 = tpu.memref_slice %arg10[%mul3A_2, %dma_wait3A_15] : memref<10240x128xf32, #tpu.memory_space<vmem_shared>> -> memref<640x128xf32, #tpu.memory_space<vmem_shared>>
      tpu.wait_dma2 semaphore(%run_scoped3A : memref<!tpu.dma_semaphore, #tpu.memory_space<semaphore_mem>>) src(%dma_wait3A_16 : memref<640x128xf32, #tpu.memory_space<vmem_shared>>) dst(%dma_wait3A_14 : memref<640x128xf32, #tpu.memory_space<hbm>>)
      tpu.yield
    }) : () -> ()
    return
  }
}

#map = affine_map<(d0, d1) -> (0, 0, 0)>
#map1 = affine_map<(d0, d1) -> (0, 0)>
module attributes {stable_mosaic.version = 14 : i64} {
  func.func @deg_kernel(%arg0: i32, %arg1: i32, %arg2: memref<32x79x128xi32, #tpu.memory_space<hbm>>, %arg3: memref<128x128xf32, #tpu.memory_space<hbm>>, %arg4: memref<640x128xf32, #tpu.memory_space<hbm>>, %arg5: memref<2x10240x128xf32, #tpu.memory_space<hbm>>, %arg6: memref<79x128xi32, #tpu.memory_space<vmem>>, %arg7: memref<128x128xf32, #tpu.memory_space<vmem>>, %arg8: memref<!tpu.dma_semaphore, #tpu.memory_space<semaphore_mem>>, %arg9: memref<10240x128xf32, #tpu.memory_space<vmem_shared>>) attributes {dimension_semantics = [#tpu.dimension_semantics<core_parallel>, #tpu.dimension_semantics<subcore_parallel>], iteration_bounds = array<i64: 2, 16>, scalar_prefetch = 0 : i64, scratch_operands = 4 : i64, tpu.core_type = #tpu.core_type<sc_vector_subcore>, window_params = [{transform_indices = #map}, {transform_indices = #map1}, {transform_indices = #map1}, {transform_indices = #map}]} {
    %mul3A = arith.constant 2 : i32
    %mul3A_0 = arith.muli %arg1, %mul3A : i32
    %add3A = arith.addi %mul3A_0, %arg0 : i32
    %mul3A_1 = arith.constant 640 : i32
    %mul3A_2 = arith.muli %arg1, %mul3A_1 : i32
    "tpu.region"() ({
      %run_scoped3A = tpu.sem_alloc : memref<!tpu.dma_semaphore, #tpu.memory_space<semaphore_mem>>
      %dma_start3A = arith.constant 0 : i32
      %dma_start3A_15 = tpu.memref_slice %arg9[%mul3A_2, %dma_start3A] : memref<10240x128xf32, #tpu.memory_space<vmem_shared>> -> memref<640x128xf32, #tpu.memory_space<vmem_shared>>
      tpu.enqueue_dma source(%arg4 : memref<640x128xf32, #tpu.memory_space<hbm>>) target(%dma_start3A_15 : memref<640x128xf32, #tpu.memory_space<vmem_shared>>) target_semaphore(%run_scoped3A : memref<!tpu.dma_semaphore, #tpu.memory_space<semaphore_mem>>)
      %dma_wait3A = arith.constant 0 : i32
      %dma_wait3A_16 = tpu.memref_slice %arg9[%mul3A_2, %dma_wait3A] : memref<10240x128xf32, #tpu.memory_space<vmem_shared>> -> memref<640x128xf32, #tpu.memory_space<vmem_shared>>
      tpu.wait_dma2 semaphore(%run_scoped3A : memref<!tpu.dma_semaphore, #tpu.memory_space<semaphore_mem>>) src(%arg4 : memref<640x128xf32, #tpu.memory_space<hbm>>) dst(%dma_wait3A_16 : memref<640x128xf32, #tpu.memory_space<vmem_shared>>)
      tpu.yield
    }) : () -> ()
    "tpu.region"() ({
      %run_scoped3A = tpu.sem_alloc : memref<!tpu.dma_semaphore, #tpu.memory_space<semaphore_mem>>
      tpu.enqueue_dma source(%arg3 : memref<128x128xf32, #tpu.memory_space<hbm>>) target(%arg7 : memref<128x128xf32, #tpu.memory_space<vmem>>) target_semaphore(%run_scoped3A : memref<!tpu.dma_semaphore, #tpu.memory_space<semaphore_mem>>)
      tpu.wait_dma2 semaphore(%run_scoped3A : memref<!tpu.dma_semaphore, #tpu.memory_space<semaphore_mem>>) src(%arg3 : memref<128x128xf32, #tpu.memory_space<hbm>>) dst(%arg7 : memref<128x128xf32, #tpu.memory_space<vmem>>)
      tpu.yield
    }) : () -> ()
    "tpu.region"() ({
      %run_scoped3A = tpu.sem_alloc : memref<!tpu.dma_semaphore, #tpu.memory_space<semaphore_mem>>
      %dma_start3A = arith.constant 0 : i32
      %dma_start3A_15 = arith.constant 0 : i32
      %dma_start3A_16 = tpu.memref_slice %arg2[%add3A, %dma_start3A, %dma_start3A_15] : memref<32x79x128xi32, #tpu.memory_space<hbm>> -> memref<1x79x128xi32, #tpu.memory_space<hbm>>
      %dma_start3A_17 = tpu.memref_squeeze %dma_start3A_16 : memref<1x79x128xi32, #tpu.memory_space<hbm>> -> memref<79x128xi32, #tpu.memory_space<hbm>>
      %dma_start3A_18 = arith.constant 0 : i32
      %dma_start3A_19 = arith.constant 0 : i32
      %dma_start3A_20 = tpu.memref_slice %arg2[%add3A, %dma_start3A_18, %dma_start3A_19] : memref<32x79x128xi32, #tpu.memory_space<hbm>> -> memref<1x79x128xi32, #tpu.memory_space<hbm>>
      %dma_start3A_21 = tpu.memref_squeeze %dma_start3A_20 : memref<1x79x128xi32, #tpu.memory_space<hbm>> -> memref<79x128xi32, #tpu.memory_space<hbm>>
      tpu.enqueue_dma source(%dma_start3A_21 : memref<79x128xi32, #tpu.memory_space<hbm>>) target(%arg6 : memref<79x128xi32, #tpu.memory_space<vmem>>) target_semaphore(%run_scoped3A : memref<!tpu.dma_semaphore, #tpu.memory_space<semaphore_mem>>)
      %dma_wait3A = arith.constant 0 : i32
      %dma_wait3A_22 = arith.constant 0 : i32
      %dma_wait3A_23 = tpu.memref_slice %arg2[%add3A, %dma_wait3A, %dma_wait3A_22] : memref<32x79x128xi32, #tpu.memory_space<hbm>> -> memref<1x79x128xi32, #tpu.memory_space<hbm>>
      %dma_wait3A_24 = tpu.memref_squeeze %dma_wait3A_23 : memref<1x79x128xi32, #tpu.memory_space<hbm>> -> memref<79x128xi32, #tpu.memory_space<hbm>>
      %dma_wait3A_25 = arith.constant 0 : i32
      %dma_wait3A_26 = arith.constant 0 : i32
      %dma_wait3A_27 = tpu.memref_slice %arg2[%add3A, %dma_wait3A_25, %dma_wait3A_26] : memref<32x79x128xi32, #tpu.memory_space<hbm>> -> memref<1x79x128xi32, #tpu.memory_space<hbm>>
      %dma_wait3A_28 = tpu.memref_squeeze %dma_wait3A_27 : memref<1x79x128xi32, #tpu.memory_space<hbm>> -> memref<79x128xi32, #tpu.memory_space<hbm>>
      tpu.wait_dma2 semaphore(%run_scoped3A : memref<!tpu.dma_semaphore, #tpu.memory_space<semaphore_mem>>) src(%dma_wait3A_28 : memref<79x128xi32, #tpu.memory_space<hbm>>) dst(%arg6 : memref<79x128xi32, #tpu.memory_space<vmem>>)
      tpu.yield
    }) : () -> ()
    %barrier3A = arith.constant 0 : index
    tpu.barrier barrier_id(%barrier3A)
    %scan3A = arith.constant 0 : i32
    %scan3A_3 = arith.constant 0 : i32
    %scan3A_4 = arith.constant 79 : i32
    %scan3A_5 = arith.addi %scan3A_3, %scan3A_4 : i32
    %scan3A_6 = arith.constant 1 : i32
    scf.for %scan3A_15 = %scan3A_3 to %scan3A_5 step %scan3A_6  : i32 {
      %dma_start3A = arith.constant 0 : i32
      %dma_start3A_16 = tpu.memref_slice %arg6[%scan3A_15, %dma_start3A] : memref<79x128xi32, #tpu.memory_space<vmem>> -> memref<1x128xi32, #tpu.memory_space<vmem>>
      %dma_start3A_17 = tpu.memref_squeeze %dma_start3A_16 : memref<1x128xi32, #tpu.memory_space<vmem>> -> memref<128xi32, #tpu.memory_space<vmem>>
      %dma_start3A_18 = arith.constant 0 : i32
      %dma_start3A_19 = arith.constant 0 : i32
      %dma_start3A_20 = tpu.memref_slice %arg9[%dma_start3A_18, %dma_start3A_19] : memref<10240x128xf32, #tpu.memory_space<vmem_shared>> -> memref<10240x128xf32, #tpu.memory_space<vmem_shared>>
      tpu.enqueue_indirect_dma source(%arg7 : memref<128x128xf32, #tpu.memory_space<vmem>>) target(%dma_start3A_20 : memref<10240x128xf32, #tpu.memory_space<vmem_shared>>) offsets(%dma_start3A_17 : memref<128xi32, #tpu.memory_space<vmem>>) semaphore(%arg8 : memref<!tpu.dma_semaphore, #tpu.memory_space<semaphore_mem>>) {add = true}
    }
    %scan3A_7 = arith.constant 79 : i32
    %scan3A_8 = arith.constant 0 : i32
    %scan3A_9 = arith.constant 0 : i32
    %scan3A_10 = arith.constant 79 : i32
    %scan3A_11 = arith.addi %scan3A_9, %scan3A_10 : i32
    %scan3A_12 = arith.constant 1 : i32
    scf.for %scan3A_15 = %scan3A_9 to %scan3A_11 step %scan3A_12  : i32 {
      %dma_wait3A = arith.constant 0 : i32
      %dma_wait3A_16 = arith.constant 0 : i32
      %dma_wait3A_17 = tpu.memref_slice %arg6[%dma_wait3A, %dma_wait3A_16] : memref<79x128xi32, #tpu.memory_space<vmem>> -> memref<1x128xi32, #tpu.memory_space<vmem>>
      %dma_wait3A_18 = tpu.memref_squeeze %dma_wait3A_17 : memref<1x128xi32, #tpu.memory_space<vmem>> -> memref<128xi32, #tpu.memory_space<vmem>>
      %dma_wait3A_19 = arith.constant 0 : i32
      %dma_wait3A_20 = arith.constant 0 : i32
      %dma_wait3A_21 = tpu.memref_slice %arg9[%dma_wait3A_19, %dma_wait3A_20] : memref<10240x128xf32, #tpu.memory_space<vmem_shared>> -> memref<10240x128xf32, #tpu.memory_space<vmem_shared>>
      tpu.wait_indirect_dma semaphore(%arg8 : memref<!tpu.dma_semaphore, #tpu.memory_space<semaphore_mem>>) src(%arg7 : memref<128x128xf32, #tpu.memory_space<vmem>>) dst(%dma_wait3A_21 : memref<10240x128xf32, #tpu.memory_space<vmem_shared>>)
    }
    %scan3A_13 = arith.constant 79 : i32
    %barrier3A_14 = arith.constant 0 : index
    tpu.barrier barrier_id(%barrier3A_14)
    "tpu.region"() ({
      %run_scoped3A = tpu.sem_alloc : memref<!tpu.dma_semaphore, #tpu.memory_space<semaphore_mem>>
      %dma_start3A = arith.constant 0 : i32
      %dma_start3A_15 = tpu.memref_slice %arg5[%arg0, %mul3A_2, %dma_start3A] : memref<2x10240x128xf32, #tpu.memory_space<hbm>> -> memref<1x640x128xf32, #tpu.memory_space<hbm>>
      %dma_start3A_16 = tpu.memref_squeeze %dma_start3A_15 : memref<1x640x128xf32, #tpu.memory_space<hbm>> -> memref<640x128xf32, #tpu.memory_space<hbm>>
      %dma_start3A_17 = arith.constant 0 : i32
      %dma_start3A_18 = tpu.memref_slice %arg9[%mul3A_2, %dma_start3A_17] : memref<10240x128xf32, #tpu.memory_space<vmem_shared>> -> memref<640x128xf32, #tpu.memory_space<vmem_shared>>
      tpu.enqueue_dma source(%dma_start3A_18 : memref<640x128xf32, #tpu.memory_space<vmem_shared>>) target(%dma_start3A_16 : memref<640x128xf32, #tpu.memory_space<hbm>>) target_semaphore(%run_scoped3A : memref<!tpu.dma_semaphore, #tpu.memory_space<semaphore_mem>>)
      %dma_wait3A = arith.constant 0 : i32
      %dma_wait3A_19 = tpu.memref_slice %arg5[%arg0, %mul3A_2, %dma_wait3A] : memref<2x10240x128xf32, #tpu.memory_space<hbm>> -> memref<1x640x128xf32, #tpu.memory_space<hbm>>
      %dma_wait3A_20 = tpu.memref_squeeze %dma_wait3A_19 : memref<1x640x128xf32, #tpu.memory_space<hbm>> -> memref<640x128xf32, #tpu.memory_space<hbm>>
      %dma_wait3A_21 = arith.constant 0 : i32
      %dma_wait3A_22 = tpu.memref_slice %arg9[%mul3A_2, %dma_wait3A_21] : memref<10240x128xf32, #tpu.memory_space<vmem_shared>> -> memref<640x128xf32, #tpu.memory_space<vmem_shared>>
      tpu.wait_dma2 semaphore(%run_scoped3A : memref<!tpu.dma_semaphore, #tpu.memory_space<semaphore_mem>>) src(%dma_wait3A_22 : memref<640x128xf32, #tpu.memory_space<vmem_shared>>) dst(%dma_wait3A_20 : memref<640x128xf32, #tpu.memory_space<hbm>>)
      tpu.yield
    }) : () -> ()
    return
  }
}

#map = affine_map<(d0, d1) -> (0, 0)>
#map1 = affine_map<(d0, d1) -> (0, 0, 0)>
module attributes {stable_mosaic.version = 14 : i64} {
  func.func @apply_kernel(%arg0: i32, %arg1: i32, %arg2: memref<10240x128xf32, #tpu.memory_space<hbm>>, %arg3: memref<32x79x128xi32, #tpu.memory_space<hbm>>, %arg4: memref<32x79x128xi32, #tpu.memory_space<hbm>>, %arg5: memref<640x128xf32, #tpu.memory_space<hbm>>, %arg6: memref<2x10240x128xf32, #tpu.memory_space<hbm>>, %arg7: memref<79x128xi32, #tpu.memory_space<vmem>>, %arg8: memref<79x128xi32, #tpu.memory_space<vmem>>, %arg9: memref<128x128xf32, #tpu.memory_space<vmem>>, %arg10: memref<10240x128xf32, #tpu.memory_space<vmem_shared>>) attributes {dimension_semantics = [#tpu.dimension_semantics<core_parallel>, #tpu.dimension_semantics<subcore_parallel>], iteration_bounds = array<i64: 2, 16>, scalar_prefetch = 0 : i64, scratch_operands = 4 : i64, tpu.core_type = #tpu.core_type<sc_vector_subcore>, window_params = [{transform_indices = #map}, {transform_indices = #map1}, {transform_indices = #map1}, {transform_indices = #map}, {transform_indices = #map1}]} {
    %mul3A = arith.constant 2 : i32
    %mul3A_0 = arith.muli %arg1, %mul3A : i32
    %add3A = arith.addi %mul3A_0, %arg0 : i32
    %mul3A_1 = arith.constant 640 : i32
    %mul3A_2 = arith.muli %arg1, %mul3A_1 : i32
    "tpu.region"() ({
      %run_scoped3A = tpu.sem_alloc : memref<!tpu.dma_semaphore, #tpu.memory_space<semaphore_mem>>
      %dma_start3A = arith.constant 0 : i32
      %dma_start3A_9 = tpu.memref_slice %arg10[%mul3A_2, %dma_start3A] : memref<10240x128xf32, #tpu.memory_space<vmem_shared>> -> memref<640x128xf32, #tpu.memory_space<vmem_shared>>
      tpu.enqueue_dma source(%arg5 : memref<640x128xf32, #tpu.memory_space<hbm>>) target(%dma_start3A_9 : memref<640x128xf32, #tpu.memory_space<vmem_shared>>) target_semaphore(%run_scoped3A : memref<!tpu.dma_semaphore, #tpu.memory_space<semaphore_mem>>)
      %dma_wait3A = arith.constant 0 : i32
      %dma_wait3A_10 = tpu.memref_slice %arg10[%mul3A_2, %dma_wait3A] : memref<10240x128xf32, #tpu.memory_space<vmem_shared>> -> memref<640x128xf32, #tpu.memory_space<vmem_shared>>
      tpu.wait_dma2 semaphore(%run_scoped3A : memref<!tpu.dma_semaphore, #tpu.memory_space<semaphore_mem>>) src(%arg5 : memref<640x128xf32, #tpu.memory_space<hbm>>) dst(%dma_wait3A_10 : memref<640x128xf32, #tpu.memory_space<vmem_shared>>)
      tpu.yield
    }) : () -> ()
    "tpu.region"() ({
      %run_scoped3A = tpu.sem_alloc : memref<!tpu.dma_semaphore, #tpu.memory_space<semaphore_mem>>
      %dma_start3A = arith.constant 0 : i32
      %dma_start3A_9 = arith.constant 0 : i32
      %dma_start3A_10 = tpu.memref_slice %arg3[%add3A, %dma_start3A, %dma_start3A_9] : memref<32x79x128xi32, #tpu.memory_space<hbm>> -> memref<1x79x128xi32, #tpu.memory_space<hbm>>
      %dma_start3A_11 = tpu.memref_squeeze %dma_start3A_10 : memref<1x79x128xi32, #tpu.memory_space<hbm>> -> memref<79x128xi32, #tpu.memory_space<hbm>>
      %dma_start3A_12 = arith.constant 0 : i32
      %dma_start3A_13 = arith.constant 0 : i32
      %dma_start3A_14 = tpu.memref_slice %arg3[%add3A, %dma_start3A_12, %dma_start3A_13] : memref<32x79x128xi32, #tpu.memory_space<hbm>> -> memref<1x79x128xi32, #tpu.memory_space<hbm>>
      %dma_start3A_15 = tpu.memref_squeeze %dma_start3A_14 : memref<1x79x128xi32, #tpu.memory_space<hbm>> -> memref<79x128xi32, #tpu.memory_space<hbm>>
      tpu.enqueue_dma source(%dma_start3A_15 : memref<79x128xi32, #tpu.memory_space<hbm>>) target(%arg7 : memref<79x128xi32, #tpu.memory_space<vmem>>) target_semaphore(%run_scoped3A : memref<!tpu.dma_semaphore, #tpu.memory_space<semaphore_mem>>)
      %dma_wait3A = arith.constant 0 : i32
      %dma_wait3A_16 = arith.constant 0 : i32
      %dma_wait3A_17 = tpu.memref_slice %arg3[%add3A, %dma_wait3A, %dma_wait3A_16] : memref<32x79x128xi32, #tpu.memory_space<hbm>> -> memref<1x79x128xi32, #tpu.memory_space<hbm>>
      %dma_wait3A_18 = tpu.memref_squeeze %dma_wait3A_17 : memref<1x79x128xi32, #tpu.memory_space<hbm>> -> memref<79x128xi32, #tpu.memory_space<hbm>>
      %dma_wait3A_19 = arith.constant 0 : i32
      %dma_wait3A_20 = arith.constant 0 : i32
      %dma_wait3A_21 = tpu.memref_slice %arg3[%add3A, %dma_wait3A_19, %dma_wait3A_20] : memref<32x79x128xi32, #tpu.memory_space<hbm>> -> memref<1x79x128xi32, #tpu.memory_space<hbm>>
      %dma_wait3A_22 = tpu.memref_squeeze %dma_wait3A_21 : memref<1x79x128xi32, #tpu.memory_space<hbm>> -> memref<79x128xi32, #tpu.memory_space<hbm>>
      tpu.wait_dma2 semaphore(%run_scoped3A : memref<!tpu.dma_semaphore, #tpu.memory_space<semaphore_mem>>) src(%dma_wait3A_22 : memref<79x128xi32, #tpu.memory_space<hbm>>) dst(%arg7 : memref<79x128xi32, #tpu.memory_space<vmem>>)
      tpu.yield
    }) : () -> ()
    "tpu.region"() ({
      %run_scoped3A = tpu.sem_alloc : memref<!tpu.dma_semaphore, #tpu.memory_space<semaphore_mem>>
      %dma_start3A = arith.constant 0 : i32
      %dma_start3A_9 = arith.constant 0 : i32
      %dma_start3A_10 = tpu.memref_slice %arg4[%add3A, %dma_start3A, %dma_start3A_9] : memref<32x79x128xi32, #tpu.memory_space<hbm>> -> memref<1x79x128xi32, #tpu.memory_space<hbm>>
      %dma_start3A_11 = tpu.memref_squeeze %dma_start3A_10 : memref<1x79x128xi32, #tpu.memory_space<hbm>> -> memref<79x128xi32, #tpu.memory_space<hbm>>
      %dma_start3A_12 = arith.constant 0 : i32
      %dma_start3A_13 = arith.constant 0 : i32
      %dma_start3A_14 = tpu.memref_slice %arg4[%add3A, %dma_start3A_12, %dma_start3A_13] : memref<32x79x128xi32, #tpu.memory_space<hbm>> -> memref<1x79x128xi32, #tpu.memory_space<hbm>>
      %dma_start3A_15 = tpu.memref_squeeze %dma_start3A_14 : memref<1x79x128xi32, #tpu.memory_space<hbm>> -> memref<79x128xi32, #tpu.memory_space<hbm>>
      tpu.enqueue_dma source(%dma_start3A_15 : memref<79x128xi32, #tpu.memory_space<hbm>>) target(%arg8 : memref<79x128xi32, #tpu.memory_space<vmem>>) target_semaphore(%run_scoped3A : memref<!tpu.dma_semaphore, #tpu.memory_space<semaphore_mem>>)
      %dma_wait3A = arith.constant 0 : i32
      %dma_wait3A_16 = arith.constant 0 : i32
      %dma_wait3A_17 = tpu.memref_slice %arg4[%add3A, %dma_wait3A, %dma_wait3A_16] : memref<32x79x128xi32, #tpu.memory_space<hbm>> -> memref<1x79x128xi32, #tpu.memory_space<hbm>>
      %dma_wait3A_18 = tpu.memref_squeeze %dma_wait3A_17 : memref<1x79x128xi32, #tpu.memory_space<hbm>> -> memref<79x128xi32, #tpu.memory_space<hbm>>
      %dma_wait3A_19 = arith.constant 0 : i32
      %dma_wait3A_20 = arith.constant 0 : i32
      %dma_wait3A_21 = tpu.memref_slice %arg4[%add3A, %dma_wait3A_19, %dma_wait3A_20] : memref<32x79x128xi32, #tpu.memory_space<hbm>> -> memref<1x79x128xi32, #tpu.memory_space<hbm>>
      %dma_wait3A_22 = tpu.memref_squeeze %dma_wait3A_21 : memref<1x79x128xi32, #tpu.memory_space<hbm>> -> memref<79x128xi32, #tpu.memory_space<hbm>>
      tpu.wait_dma2 semaphore(%run_scoped3A : memref<!tpu.dma_semaphore, #tpu.memory_space<semaphore_mem>>) src(%dma_wait3A_22 : memref<79x128xi32, #tpu.memory_space<hbm>>) dst(%arg8 : memref<79x128xi32, #tpu.memory_space<vmem>>)
      tpu.yield
    }) : () -> ()
    %barrier3A = arith.constant 0 : index
    tpu.barrier barrier_id(%barrier3A)
    %scan3A = arith.constant 0 : i32
    %scan3A_3 = arith.constant 0 : i32
    %scan3A_4 = arith.constant 79 : i32
    %scan3A_5 = arith.addi %scan3A_3, %scan3A_4 : i32
    %scan3A_6 = arith.constant 1 : i32
    scf.for %scan3A_9 = %scan3A_3 to %scan3A_5 step %scan3A_6  : i32 {
      "tpu.region"() ({
        %run_scoped3A = tpu.sem_alloc : memref<!tpu.dma_semaphore, #tpu.memory_space<semaphore_mem>>
        %dma_start3A = arith.constant 0 : i32
        %dma_start3A_10 = tpu.memref_slice %arg7[%scan3A_9, %dma_start3A] : memref<79x128xi32, #tpu.memory_space<vmem>> -> memref<1x128xi32, #tpu.memory_space<vmem>>
        %dma_start3A_11 = tpu.memref_squeeze %dma_start3A_10 : memref<1x128xi32, #tpu.memory_space<vmem>> -> memref<128xi32, #tpu.memory_space<vmem>>
        %dma_start3A_12 = arith.constant 0 : i32
        %dma_start3A_13 = arith.constant 0 : i32
        %dma_start3A_14 = tpu.memref_slice %arg2[%dma_start3A_12, %dma_start3A_13] : memref<10240x128xf32, #tpu.memory_space<hbm>> -> memref<10240x128xf32, #tpu.memory_space<hbm>>
        tpu.enqueue_indirect_dma source(%dma_start3A_14 : memref<10240x128xf32, #tpu.memory_space<hbm>>) target(%arg9 : memref<128x128xf32, #tpu.memory_space<vmem>>) offsets(%dma_start3A_11 : memref<128xi32, #tpu.memory_space<vmem>>) semaphore(%run_scoped3A : memref<!tpu.dma_semaphore, #tpu.memory_space<semaphore_mem>>)
        %dma_wait3A = arith.constant 0 : i32
        %dma_wait3A_15 = tpu.memref_slice %arg7[%scan3A_9, %dma_wait3A] : memref<79x128xi32, #tpu.memory_space<vmem>> -> memref<1x128xi32, #tpu.memory_space<vmem>>
        %dma_wait3A_16 = tpu.memref_squeeze %dma_wait3A_15 : memref<1x128xi32, #tpu.memory_space<vmem>> -> memref<128xi32, #tpu.memory_space<vmem>>
        %dma_wait3A_17 = arith.constant 0 : i32
        %dma_wait3A_18 = arith.constant 0 : i32
        %dma_wait3A_19 = tpu.memref_slice %arg2[%dma_wait3A_17, %dma_wait3A_18] : memref<10240x128xf32, #tpu.memory_space<hbm>> -> memref<10240x128xf32, #tpu.memory_space<hbm>>
        tpu.wait_indirect_dma semaphore(%run_scoped3A : memref<!tpu.dma_semaphore, #tpu.memory_space<semaphore_mem>>) src(%dma_wait3A_19 : memref<10240x128xf32, #tpu.memory_space<hbm>>) dst(%arg9 : memref<128x128xf32, #tpu.memory_space<vmem>>)
        tpu.yield
      }) : () -> ()
      "tpu.region"() ({
        %run_scoped3A = tpu.sem_alloc : memref<!tpu.dma_semaphore, #tpu.memory_space<semaphore_mem>>
        %dma_start3A = arith.constant 0 : i32
        %dma_start3A_10 = tpu.memref_slice %arg8[%scan3A_9, %dma_start3A] : memref<79x128xi32, #tpu.memory_space<vmem>> -> memref<1x128xi32, #tpu.memory_space<vmem>>
        %dma_start3A_11 = tpu.memref_squeeze %dma_start3A_10 : memref<1x128xi32, #tpu.memory_space<vmem>> -> memref<128xi32, #tpu.memory_space<vmem>>
        %dma_start3A_12 = arith.constant 0 : i32
        %dma_start3A_13 = arith.constant 0 : i32
        %dma_start3A_14 = tpu.memref_slice %arg10[%dma_start3A_12, %dma_start3A_13] : memref<10240x128xf32, #tpu.memory_space<vmem_shared>> -> memref<10240x128xf32, #tpu.memory_space<vmem_shared>>
        tpu.enqueue_indirect_dma source(%arg9 : memref<128x128xf32, #tpu.memory_space<vmem>>) target(%dma_start3A_14 : memref<10240x128xf32, #tpu.memory_space<vmem_shared>>) offsets(%dma_start3A_11 : memref<128xi32, #tpu.memory_space<vmem>>) semaphore(%run_scoped3A : memref<!tpu.dma_semaphore, #tpu.memory_space<semaphore_mem>>) {add = true}
        %dma_wait3A = arith.constant 0 : i32
        %dma_wait3A_15 = tpu.memref_slice %arg8[%scan3A_9, %dma_wait3A] : memref<79x128xi32, #tpu.memory_space<vmem>> -> memref<1x128xi32, #tpu.memory_space<vmem>>
        %dma_wait3A_16 = tpu.memref_squeeze %dma_wait3A_15 : memref<1x128xi32, #tpu.memory_space<vmem>> -> memref<128xi32, #tpu.memory_space<vmem>>
        %dma_wait3A_17 = arith.constant 0 : i32
        %dma_wait3A_18 = arith.constant 0 : i32
        %dma_wait3A_19 = tpu.memref_slice %arg10[%dma_wait3A_17, %dma_wait3A_18] : memref<10240x128xf32, #tpu.memory_space<vmem_shared>> -> memref<10240x128xf32, #tpu.memory_space<vmem_shared>>
        tpu.wait_indirect_dma semaphore(%run_scoped3A : memref<!tpu.dma_semaphore, #tpu.memory_space<semaphore_mem>>) src(%arg9 : memref<128x128xf32, #tpu.memory_space<vmem>>) dst(%dma_wait3A_19 : memref<10240x128xf32, #tpu.memory_space<vmem_shared>>)
        tpu.yield
      }) : () -> ()
    }
    %scan3A_7 = arith.constant 79 : i32
    %barrier3A_8 = arith.constant 0 : index
    tpu.barrier barrier_id(%barrier3A_8)
    "tpu.region"() ({
      %run_scoped3A = tpu.sem_alloc : memref<!tpu.dma_semaphore, #tpu.memory_space<semaphore_mem>>
      %dma_start3A = arith.constant 0 : i32
      %dma_start3A_9 = tpu.memref_slice %arg6[%arg0, %mul3A_2, %dma_start3A] : memref<2x10240x128xf32, #tpu.memory_space<hbm>> -> memref<1x640x128xf32, #tpu.memory_space<hbm>>
      %dma_start3A_10 = tpu.memref_squeeze %dma_start3A_9 : memref<1x640x128xf32, #tpu.memory_space<hbm>> -> memref<640x128xf32, #tpu.memory_space<hbm>>
      %dma_start3A_11 = arith.constant 0 : i32
      %dma_start3A_12 = tpu.memref_slice %arg10[%mul3A_2, %dma_start3A_11] : memref<10240x128xf32, #tpu.memory_space<vmem_shared>> -> memref<640x128xf32, #tpu.memory_space<vmem_shared>>
      tpu.enqueue_dma source(%dma_start3A_12 : memref<640x128xf32, #tpu.memory_space<vmem_shared>>) target(%dma_start3A_10 : memref<640x128xf32, #tpu.memory_space<hbm>>) target_semaphore(%run_scoped3A : memref<!tpu.dma_semaphore, #tpu.memory_space<semaphore_mem>>)
      %dma_wait3A = arith.constant 0 : i32
      %dma_wait3A_13 = tpu.memref_slice %arg6[%arg0, %mul3A_2, %dma_wait3A] : memref<2x10240x128xf32, #tpu.memory_space<hbm>> -> memref<1x640x128xf32, #tpu.memory_space<hbm>>
      %dma_wait3A_14 = tpu.memref_squeeze %dma_wait3A_13 : memref<1x640x128xf32, #tpu.memory_space<hbm>> -> memref<640x128xf32, #tpu.memory_space<hbm>>
      %dma_wait3A_15 = arith.constant 0 : i32
      %dma_wait3A_16 = tpu.memref_slice %arg10[%mul3A_2, %dma_wait3A_15] : memref<10240x128xf32, #tpu.memory_space<vmem_shared>> -> memref<640x128xf32, #tpu.memory_space<vmem_shared>>
      tpu.wait_dma2 semaphore(%run_scoped3A : memref<!tpu.dma_semaphore, #tpu.memory_space<semaphore_mem>>) src(%dma_wait3A_16 : memref<640x128xf32, #tpu.memory_space<vmem_shared>>) dst(%dma_wait3A_14 : memref<640x128xf32, #tpu.memory_space<hbm>>)
      tpu.yield
    }) : () -> ()
    return
  }
}

#map = affine_map<(d0, d1) -> (0, 0)>
#map1 = affine_map<(d0, d1) -> (0, 0, 0)>
module attributes {stable_mosaic.version = 14 : i64} {
  func.func @apply_kernel(%arg0: i32, %arg1: i32, %arg2: memref<10240x128xf32, #tpu.memory_space<hbm>>, %arg3: memref<32x79x128xi32, #tpu.memory_space<hbm>>, %arg4: memref<32x79x128xi32, #tpu.memory_space<hbm>>, %arg5: memref<640x128xf32, #tpu.memory_space<hbm>>, %arg6: memref<2x10240x128xf32, #tpu.memory_space<hbm>>, %arg7: memref<79x128xi32, #tpu.memory_space<vmem>>, %arg8: memref<79x128xi32, #tpu.memory_space<vmem>>, %arg9: memref<128x128xf32, #tpu.memory_space<vmem>>, %arg10: memref<10240x128xf32, #tpu.memory_space<vmem_shared>>) attributes {dimension_semantics = [#tpu.dimension_semantics<core_parallel>, #tpu.dimension_semantics<subcore_parallel>], iteration_bounds = array<i64: 2, 16>, scalar_prefetch = 0 : i64, scratch_operands = 4 : i64, tpu.core_type = #tpu.core_type<sc_vector_subcore>, window_params = [{transform_indices = #map}, {transform_indices = #map1}, {transform_indices = #map1}, {transform_indices = #map}, {transform_indices = #map1}]} {
    %mul3A = arith.constant 2 : i32
    %mul3A_0 = arith.muli %arg1, %mul3A : i32
    %add3A = arith.addi %mul3A_0, %arg0 : i32
    %mul3A_1 = arith.constant 640 : i32
    %mul3A_2 = arith.muli %arg1, %mul3A_1 : i32
    "tpu.region"() ({
      %run_scoped3A = tpu.sem_alloc : memref<!tpu.dma_semaphore, #tpu.memory_space<semaphore_mem>>
      %dma_start3A = arith.constant 0 : i32
      %dma_start3A_9 = tpu.memref_slice %arg10[%mul3A_2, %dma_start3A] : memref<10240x128xf32, #tpu.memory_space<vmem_shared>> -> memref<640x128xf32, #tpu.memory_space<vmem_shared>>
      tpu.enqueue_dma source(%arg5 : memref<640x128xf32, #tpu.memory_space<hbm>>) target(%dma_start3A_9 : memref<640x128xf32, #tpu.memory_space<vmem_shared>>) target_semaphore(%run_scoped3A : memref<!tpu.dma_semaphore, #tpu.memory_space<semaphore_mem>>)
      %dma_wait3A = arith.constant 0 : i32
      %dma_wait3A_10 = tpu.memref_slice %arg10[%mul3A_2, %dma_wait3A] : memref<10240x128xf32, #tpu.memory_space<vmem_shared>> -> memref<640x128xf32, #tpu.memory_space<vmem_shared>>
      tpu.wait_dma2 semaphore(%run_scoped3A : memref<!tpu.dma_semaphore, #tpu.memory_space<semaphore_mem>>) src(%arg5 : memref<640x128xf32, #tpu.memory_space<hbm>>) dst(%dma_wait3A_10 : memref<640x128xf32, #tpu.memory_space<vmem_shared>>)
      tpu.yield
    }) : () -> ()
    "tpu.region"() ({
      %run_scoped3A = tpu.sem_alloc : memref<!tpu.dma_semaphore, #tpu.memory_space<semaphore_mem>>
      %dma_start3A = arith.constant 0 : i32
      %dma_start3A_9 = arith.constant 0 : i32
      %dma_start3A_10 = tpu.memref_slice %arg3[%add3A, %dma_start3A, %dma_start3A_9] : memref<32x79x128xi32, #tpu.memory_space<hbm>> -> memref<1x79x128xi32, #tpu.memory_space<hbm>>
      %dma_start3A_11 = tpu.memref_squeeze %dma_start3A_10 : memref<1x79x128xi32, #tpu.memory_space<hbm>> -> memref<79x128xi32, #tpu.memory_space<hbm>>
      %dma_start3A_12 = arith.constant 0 : i32
      %dma_start3A_13 = arith.constant 0 : i32
      %dma_start3A_14 = tpu.memref_slice %arg3[%add3A, %dma_start3A_12, %dma_start3A_13] : memref<32x79x128xi32, #tpu.memory_space<hbm>> -> memref<1x79x128xi32, #tpu.memory_space<hbm>>
      %dma_start3A_15 = tpu.memref_squeeze %dma_start3A_14 : memref<1x79x128xi32, #tpu.memory_space<hbm>> -> memref<79x128xi32, #tpu.memory_space<hbm>>
      tpu.enqueue_dma source(%dma_start3A_15 : memref<79x128xi32, #tpu.memory_space<hbm>>) target(%arg7 : memref<79x128xi32, #tpu.memory_space<vmem>>) target_semaphore(%run_scoped3A : memref<!tpu.dma_semaphore, #tpu.memory_space<semaphore_mem>>)
      %dma_wait3A = arith.constant 0 : i32
      %dma_wait3A_16 = arith.constant 0 : i32
      %dma_wait3A_17 = tpu.memref_slice %arg3[%add3A, %dma_wait3A, %dma_wait3A_16] : memref<32x79x128xi32, #tpu.memory_space<hbm>> -> memref<1x79x128xi32, #tpu.memory_space<hbm>>
      %dma_wait3A_18 = tpu.memref_squeeze %dma_wait3A_17 : memref<1x79x128xi32, #tpu.memory_space<hbm>> -> memref<79x128xi32, #tpu.memory_space<hbm>>
      %dma_wait3A_19 = arith.constant 0 : i32
      %dma_wait3A_20 = arith.constant 0 : i32
      %dma_wait3A_21 = tpu.memref_slice %arg3[%add3A, %dma_wait3A_19, %dma_wait3A_20] : memref<32x79x128xi32, #tpu.memory_space<hbm>> -> memref<1x79x128xi32, #tpu.memory_space<hbm>>
      %dma_wait3A_22 = tpu.memref_squeeze %dma_wait3A_21 : memref<1x79x128xi32, #tpu.memory_space<hbm>> -> memref<79x128xi32, #tpu.memory_space<hbm>>
      tpu.wait_dma2 semaphore(%run_scoped3A : memref<!tpu.dma_semaphore, #tpu.memory_space<semaphore_mem>>) src(%dma_wait3A_22 : memref<79x128xi32, #tpu.memory_space<hbm>>) dst(%arg7 : memref<79x128xi32, #tpu.memory_space<vmem>>)
      tpu.yield
    }) : () -> ()
    "tpu.region"() ({
      %run_scoped3A = tpu.sem_alloc : memref<!tpu.dma_semaphore, #tpu.memory_space<semaphore_mem>>
      %dma_start3A = arith.constant 0 : i32
      %dma_start3A_9 = arith.constant 0 : i32
      %dma_start3A_10 = tpu.memref_slice %arg4[%add3A, %dma_start3A, %dma_start3A_9] : memref<32x79x128xi32, #tpu.memory_space<hbm>> -> memref<1x79x128xi32, #tpu.memory_space<hbm>>
      %dma_start3A_11 = tpu.memref_squeeze %dma_start3A_10 : memref<1x79x128xi32, #tpu.memory_space<hbm>> -> memref<79x128xi32, #tpu.memory_space<hbm>>
      %dma_start3A_12 = arith.constant 0 : i32
      %dma_start3A_13 = arith.constant 0 : i32
      %dma_start3A_14 = tpu.memref_slice %arg4[%add3A, %dma_start3A_12, %dma_start3A_13] : memref<32x79x128xi32, #tpu.memory_space<hbm>> -> memref<1x79x128xi32, #tpu.memory_space<hbm>>
      %dma_start3A_15 = tpu.memref_squeeze %dma_start3A_14 : memref<1x79x128xi32, #tpu.memory_space<hbm>> -> memref<79x128xi32, #tpu.memory_space<hbm>>
      tpu.enqueue_dma source(%dma_start3A_15 : memref<79x128xi32, #tpu.memory_space<hbm>>) target(%arg8 : memref<79x128xi32, #tpu.memory_space<vmem>>) target_semaphore(%run_scoped3A : memref<!tpu.dma_semaphore, #tpu.memory_space<semaphore_mem>>)
      %dma_wait3A = arith.constant 0 : i32
      %dma_wait3A_16 = arith.constant 0 : i32
      %dma_wait3A_17 = tpu.memref_slice %arg4[%add3A, %dma_wait3A, %dma_wait3A_16] : memref<32x79x128xi32, #tpu.memory_space<hbm>> -> memref<1x79x128xi32, #tpu.memory_space<hbm>>
      %dma_wait3A_18 = tpu.memref_squeeze %dma_wait3A_17 : memref<1x79x128xi32, #tpu.memory_space<hbm>> -> memref<79x128xi32, #tpu.memory_space<hbm>>
      %dma_wait3A_19 = arith.constant 0 : i32
      %dma_wait3A_20 = arith.constant 0 : i32
      %dma_wait3A_21 = tpu.memref_slice %arg4[%add3A, %dma_wait3A_19, %dma_wait3A_20] : memref<32x79x128xi32, #tpu.memory_space<hbm>> -> memref<1x79x128xi32, #tpu.memory_space<hbm>>
      %dma_wait3A_22 = tpu.memref_squeeze %dma_wait3A_21 : memref<1x79x128xi32, #tpu.memory_space<hbm>> -> memref<79x128xi32, #tpu.memory_space<hbm>>
      tpu.wait_dma2 semaphore(%run_scoped3A : memref<!tpu.dma_semaphore, #tpu.memory_space<semaphore_mem>>) src(%dma_wait3A_22 : memref<79x128xi32, #tpu.memory_space<hbm>>) dst(%arg8 : memref<79x128xi32, #tpu.memory_space<vmem>>)
      tpu.yield
    }) : () -> ()
    %barrier3A = arith.constant 0 : index
    tpu.barrier barrier_id(%barrier3A)
    %scan3A = arith.constant 0 : i32
    %scan3A_3 = arith.constant 0 : i32
    %scan3A_4 = arith.constant 79 : i32
    %scan3A_5 = arith.addi %scan3A_3, %scan3A_4 : i32
    %scan3A_6 = arith.constant 1 : i32
    scf.for %scan3A_9 = %scan3A_3 to %scan3A_5 step %scan3A_6  : i32 {
      "tpu.region"() ({
        %run_scoped3A = tpu.sem_alloc : memref<!tpu.dma_semaphore, #tpu.memory_space<semaphore_mem>>
        %dma_start3A = arith.constant 0 : i32
        %dma_start3A_10 = tpu.memref_slice %arg7[%scan3A_9, %dma_start3A] : memref<79x128xi32, #tpu.memory_space<vmem>> -> memref<1x128xi32, #tpu.memory_space<vmem>>
        %dma_start3A_11 = tpu.memref_squeeze %dma_start3A_10 : memref<1x128xi32, #tpu.memory_space<vmem>> -> memref<128xi32, #tpu.memory_space<vmem>>
        %dma_start3A_12 = arith.constant 0 : i32
        %dma_start3A_13 = arith.constant 0 : i32
        %dma_start3A_14 = tpu.memref_slice %arg2[%dma_start3A_12, %dma_start3A_13] : memref<10240x128xf32, #tpu.memory_space<hbm>> -> memref<10240x128xf32, #tpu.memory_space<hbm>>
        tpu.enqueue_indirect_dma source(%dma_start3A_14 : memref<10240x128xf32, #tpu.memory_space<hbm>>) target(%arg9 : memref<128x128xf32, #tpu.memory_space<vmem>>) offsets(%dma_start3A_11 : memref<128xi32, #tpu.memory_space<vmem>>) semaphore(%run_scoped3A : memref<!tpu.dma_semaphore, #tpu.memory_space<semaphore_mem>>)
        %dma_wait3A = arith.constant 0 : i32
        %dma_wait3A_15 = tpu.memref_slice %arg7[%scan3A_9, %dma_wait3A] : memref<79x128xi32, #tpu.memory_space<vmem>> -> memref<1x128xi32, #tpu.memory_space<vmem>>
        %dma_wait3A_16 = tpu.memref_squeeze %dma_wait3A_15 : memref<1x128xi32, #tpu.memory_space<vmem>> -> memref<128xi32, #tpu.memory_space<vmem>>
        %dma_wait3A_17 = arith.constant 0 : i32
        %dma_wait3A_18 = arith.constant 0 : i32
        %dma_wait3A_19 = tpu.memref_slice %arg2[%dma_wait3A_17, %dma_wait3A_18] : memref<10240x128xf32, #tpu.memory_space<hbm>> -> memref<10240x128xf32, #tpu.memory_space<hbm>>
        tpu.wait_indirect_dma semaphore(%run_scoped3A : memref<!tpu.dma_semaphore, #tpu.memory_space<semaphore_mem>>) src(%dma_wait3A_19 : memref<10240x128xf32, #tpu.memory_space<hbm>>) dst(%arg9 : memref<128x128xf32, #tpu.memory_space<vmem>>)
        tpu.yield
      }) : () -> ()
      "tpu.region"() ({
        %run_scoped3A = tpu.sem_alloc : memref<!tpu.dma_semaphore, #tpu.memory_space<semaphore_mem>>
        %dma_start3A = arith.constant 0 : i32
        %dma_start3A_10 = tpu.memref_slice %arg8[%scan3A_9, %dma_start3A] : memref<79x128xi32, #tpu.memory_space<vmem>> -> memref<1x128xi32, #tpu.memory_space<vmem>>
        %dma_start3A_11 = tpu.memref_squeeze %dma_start3A_10 : memref<1x128xi32, #tpu.memory_space<vmem>> -> memref<128xi32, #tpu.memory_space<vmem>>
        %dma_start3A_12 = arith.constant 0 : i32
        %dma_start3A_13 = arith.constant 0 : i32
        %dma_start3A_14 = tpu.memref_slice %arg10[%dma_start3A_12, %dma_start3A_13] : memref<10240x128xf32, #tpu.memory_space<vmem_shared>> -> memref<10240x128xf32, #tpu.memory_space<vmem_shared>>
        tpu.enqueue_indirect_dma source(%arg9 : memref<128x128xf32, #tpu.memory_space<vmem>>) target(%dma_start3A_14 : memref<10240x128xf32, #tpu.memory_space<vmem_shared>>) offsets(%dma_start3A_11 : memref<128xi32, #tpu.memory_space<vmem>>) semaphore(%run_scoped3A : memref<!tpu.dma_semaphore, #tpu.memory_space<semaphore_mem>>) {add = true}
        %dma_wait3A = arith.constant 0 : i32
        %dma_wait3A_15 = tpu.memref_slice %arg8[%scan3A_9, %dma_wait3A] : memref<79x128xi32, #tpu.memory_space<vmem>> -> memref<1x128xi32, #tpu.memory_space<vmem>>
        %dma_wait3A_16 = tpu.memref_squeeze %dma_wait3A_15 : memref<1x128xi32, #tpu.memory_space<vmem>> -> memref<128xi32, #tpu.memory_space<vmem>>
        %dma_wait3A_17 = arith.constant 0 : i32
        %dma_wait3A_18 = arith.constant 0 : i32
        %dma_wait3A_19 = tpu.memref_slice %arg10[%dma_wait3A_17, %dma_wait3A_18] : memref<10240x128xf32, #tpu.memory_space<vmem_shared>> -> memref<10240x128xf32, #tpu.memory_space<vmem_shared>>
        tpu.wait_indirect_dma semaphore(%run_scoped3A : memref<!tpu.dma_semaphore, #tpu.memory_space<semaphore_mem>>) src(%arg9 : memref<128x128xf32, #tpu.memory_space<vmem>>) dst(%dma_wait3A_19 : memref<10240x128xf32, #tpu.memory_space<vmem_shared>>)
        tpu.yield
      }) : () -> ()
    }
    %scan3A_7 = arith.constant 79 : i32
    %barrier3A_8 = arith.constant 0 : index
    tpu.barrier barrier_id(%barrier3A_8)
    "tpu.region"() ({
      %run_scoped3A = tpu.sem_alloc : memref<!tpu.dma_semaphore, #tpu.memory_space<semaphore_mem>>
      %dma_start3A = arith.constant 0 : i32
      %dma_start3A_9 = tpu.memref_slice %arg6[%arg0, %mul3A_2, %dma_start3A] : memref<2x10240x128xf32, #tpu.memory_space<hbm>> -> memref<1x640x128xf32, #tpu.memory_space<hbm>>
      %dma_start3A_10 = tpu.memref_squeeze %dma_start3A_9 : memref<1x640x128xf32, #tpu.memory_space<hbm>> -> memref<640x128xf32, #tpu.memory_space<hbm>>
      %dma_start3A_11 = arith.constant 0 : i32
      %dma_start3A_12 = tpu.memref_slice %arg10[%mul3A_2, %dma_start3A_11] : memref<10240x128xf32, #tpu.memory_space<vmem_shared>> -> memref<640x128xf32, #tpu.memory_space<vmem_shared>>
      tpu.enqueue_dma source(%dma_start3A_12 : memref<640x128xf32, #tpu.memory_space<vmem_shared>>) target(%dma_start3A_10 : memref<640x128xf32, #tpu.memory_space<hbm>>) target_semaphore(%run_scoped3A : memref<!tpu.dma_semaphore, #tpu.memory_space<semaphore_mem>>)
      %dma_wait3A = arith.constant 0 : i32
      %dma_wait3A_13 = tpu.memref_slice %arg6[%arg0, %mul3A_2, %dma_wait3A] : memref<2x10240x128xf32, #tpu.memory_space<hbm>> -> memref<1x640x128xf32, #tpu.memory_space<hbm>>
      %dma_wait3A_14 = tpu.memref_squeeze %dma_wait3A_13 : memref<1x640x128xf32, #tpu.memory_space<hbm>> -> memref<640x128xf32, #tpu.memory_space<hbm>>
      %dma_wait3A_15 = arith.constant 0 : i32
      %dma_wait3A_16 = tpu.memref_slice %arg10[%mul3A_2, %dma_wait3A_15] : memref<10240x128xf32, #tpu.memory_space<vmem_shared>> -> memref<640x128xf32, #tpu.memory_space<vmem_shared>>
      tpu.wait_dma2 semaphore(%run_scoped3A : memref<!tpu.dma_semaphore, #tpu.memory_space<semaphore_mem>>) src(%dma_wait3A_16 : memref<640x128xf32, #tpu.memory_space<vmem_shared>>) dst(%dma_wait3A_14 : memref<640x128xf32, #tpu.memory_space<hbm>>)
      tpu.yield
    }) : () -> ()
    return
  }
}

module attributes {stable_mosaic.version = 14 : i64} {
  func.func @_tc1_body(%arg0: i32, %arg1: memref<2x1024x128xf32, #tpu.memory_space<vmem>>, %arg2: memref<1024x128xf32, #tpu.memory_space<vmem>>, %arg3: memref<128x128xf32, #tpu.memory_space<vmem>>, %arg4: memref<1024x1xf32, #tpu.memory_space<vmem>>, %arg5: memref<1024x128xf32, #tpu.memory_space<vmem>>) attributes {dimension_semantics = [#tpu.dimension_semantics<arbitrary>], iteration_bounds = array<i64: 10>, scalar_prefetch = 0 : i64, scratch_operands = 0 : i64, tpu.core_type = #tpu.core_type<tc>, window_params = [{transform_indices = @transform_0, window_bounds = array<i64: 2, 1024, 128>}, {transform_indices = @transform_1, window_bounds = array<i64: 1024, 128>}, {pipeline_mode = #tpu.pipeline_mode<synchronous>, transform_indices = @transform_2, window_bounds = array<i64: 128, 128>}, {transform_indices = @transform_3, window_bounds = array<i64: 1024, 1>}, {transform_indices = @transform_4, window_bounds = array<i64: 1024, 128>}]} {
    %get3A = arith.constant 0 : index
    %get3A_0 = arith.constant 0 : index
    %get3A_1 = arith.constant 0 : index
    %get3A_2 = vector.load %arg1[%get3A, %get3A_0, %get3A_1] : memref<2x1024x128xf32, #tpu.memory_space<vmem>>, vector<1x1024x1xf32>
    %get3A_3 = vector.shape_cast %get3A_2 : vector<1x1024x1xf32> to vector<1024xf32>
    %get3A_4 = arith.constant 1 : index
    %get3A_5 = arith.constant 0 : index
    %get3A_6 = arith.constant 0 : index
    %get3A_7 = vector.load %arg1[%get3A_4, %get3A_5, %get3A_6] : memref<2x1024x128xf32, #tpu.memory_space<vmem>>, vector<1x1024x1xf32>
    %get3A_8 = vector.shape_cast %get3A_7 : vector<1x1024x1xf32> to vector<1024xf32>
    %add3A = arith.addf %get3A_3, %get3A_8 : vector<1024xf32>
    %add3A_9 = arith.constant 1.000000e+00 : f32
    %add3A_10 = vector.broadcast %add3A_9 : f32 to vector<1024xf32>
    %add3A_11 = arith.addf %add3A, %add3A_10 : vector<1024xf32>
    %rsqrt3A = math.rsqrt %add3A_11 : vector<1024xf32>
    %get3A_12 = arith.constant 0 : index
    %get3A_13 = arith.constant 0 : index
    %get3A_14 = vector.load %arg2[%get3A_12, %get3A_13] : memref<1024x128xf32, #tpu.memory_space<vmem>>, vector<1024x128xf32>
    %get3A_15 = arith.constant 0 : index
    %get3A_16 = arith.constant 0 : index
    %get3A_17 = vector.load %arg3[%get3A_15, %get3A_16] : memref<128x128xf32, #tpu.memory_space<vmem>>, vector<128x128xf32>
    %dot_general3A = arith.constant dense<0.000000e+00> : vector<1024x128xf32>
    %dot_general3A_18 = tpu.matmul %get3A_14, %get3A_17, %dot_general3A {dimension_numbers = #tpu.dot_dimension_numbers<[1], [0], [0], [1], [0, 0, 1, 1], [], []>, transpose_lhs_hint = false} : vector<1024x128xf32>, vector<128x128xf32>, vector<1024x128xf32> -> vector<1024x128xf32>
    %broadcast_in_dim3A = vector.shape_cast %rsqrt3A : vector<1024xf32> to vector<1024x1xf32>
    %swap3A = arith.constant 0 : index
    %swap3A_19 = arith.constant 0 : index
    %swap3A_20 = vector.load %arg4[%swap3A, %swap3A_19] : memref<1024x1xf32, #tpu.memory_space<vmem>>, vector<1024x1xf32>
    tpu.vector_store %arg4[%swap3A, %swap3A_19], %broadcast_in_dim3A {strides = array<i32>} : memref<1024x1xf32, #tpu.memory_space<vmem>>, vector<1024x1xf32>,
    %broadcast_in_dim3A_21 = vector.shape_cast %rsqrt3A : vector<1024xf32> to vector<1024x1xf32>
    %mul3A = vector.broadcast %broadcast_in_dim3A_21 : vector<1024x1xf32> to vector<1024x128xf32>
    %mul3A_22 = arith.mulf %dot_general3A_18, %mul3A : vector<1024x128xf32>
    %swap3A_23 = arith.constant 0 : index
    %swap3A_24 = arith.constant 0 : index
    %swap3A_25 = vector.load %arg5[%swap3A_23, %swap3A_24] : memref<1024x128xf32, #tpu.memory_space<vmem>>, vector<1024x128xf32>
    tpu.vector_store %arg5[%swap3A_23, %swap3A_24], %mul3A_22 {strides = array<i32>} : memref<1024x128xf32, #tpu.memory_space<vmem>>, vector<1024x128xf32>,
    return
  }
  func.func @transform_0(%arg0: i32) -> (i32, i32, i32) {
    %c0_i32 = arith.constant 0 : i32
    %c0_i32_0 = arith.constant 0 : i32
    %c0_i32_1 = arith.constant 0 : i32
    return %c0_i32, %arg0, %c0_i32_0 : i32, i32, i32
  }
  func.func @transform_1(%arg0: i32) -> (i32, i32) {
    %c0_i32 = arith.constant 0 : i32
    %c0_i32_0 = arith.constant 0 : i32
    return %arg0, %c0_i32 : i32, i32
  }
  func.func @transform_2(%arg0: i32) -> (i32, i32) {
    %c0_i32 = arith.constant 0 : i32
    %c0_i32_0 = arith.constant 0 : i32
    %c0_i32_1 = arith.constant 0 : i32
    return %c0_i32, %c0_i32_0 : i32, i32
  }
  func.func @transform_3(%arg0: i32) -> (i32, i32) {
    %c0_i32 = arith.constant 0 : i32
    %c0_i32_0 = arith.constant 0 : i32
    return %arg0, %c0_i32 : i32, i32
  }
  func.func @transform_4(%arg0: i32) -> (i32, i32) {
    %c0_i32 = arith.constant 0 : i32
    %c0_i32_0 = arith.constant 0 : i32
    return %arg0, %c0_i32 : i32, i32
  }
}

module attributes {stable_mosaic.version = 14 : i64} {
  func.func @_tc_mid_body(%arg0: i32, %arg1: memref<2x1024x128xf32, #tpu.memory_space<vmem>>, %arg2: memref<1024x128xf32, #tpu.memory_space<vmem>>, %arg3: memref<1024x1xf32, #tpu.memory_space<vmem>>, %arg4: memref<1x128xf32, #tpu.memory_space<vmem>>, %arg5: memref<128x128xf32, #tpu.memory_space<vmem>>, %arg6: memref<1024x128xf32, #tpu.memory_space<vmem>>) attributes {dimension_semantics = [#tpu.dimension_semantics<arbitrary>], iteration_bounds = array<i64: 10>, scalar_prefetch = 0 : i64, scratch_operands = 0 : i64, tpu.core_type = #tpu.core_type<tc>, window_params = [{transform_indices = @transform_0, window_bounds = array<i64: 2, 1024, 128>}, {transform_indices = @transform_1, window_bounds = array<i64: 1024, 128>}, {transform_indices = @transform_2, window_bounds = array<i64: 1024, 1>}, {pipeline_mode = #tpu.pipeline_mode<synchronous>, transform_indices = @transform_3, window_bounds = array<i64: 1, 128>}, {pipeline_mode = #tpu.pipeline_mode<synchronous>, transform_indices = @transform_4, window_bounds = array<i64: 128, 128>}, {transform_indices = @transform_5, window_bounds = array<i64: 1024, 128>}]} {
    %get3A = arith.constant 0 : index
    %get3A_0 = arith.constant 0 : index
    %get3A_1 = vector.load %arg3[%get3A, %get3A_0] : memref<1024x1xf32, #tpu.memory_space<vmem>>, vector<1024x1xf32>
    %get3A_2 = arith.constant 0 : index
    %get3A_3 = arith.constant 0 : index
    %get3A_4 = arith.constant 0 : index
    %get3A_5 = vector.load %arg1[%get3A_2, %get3A_3, %get3A_4] : memref<2x1024x128xf32, #tpu.memory_space<vmem>>, vector<1x1024x128xf32>
    %get3A_6 = vector.shape_cast %get3A_5 : vector<1x1024x128xf32> to vector<1024x128xf32>
    %get3A_7 = arith.constant 1 : index
    %get3A_8 = arith.constant 0 : index
    %get3A_9 = arith.constant 0 : index
    %get3A_10 = vector.load %arg1[%get3A_7, %get3A_8, %get3A_9] : memref<2x1024x128xf32, #tpu.memory_space<vmem>>, vector<1x1024x128xf32>
    %get3A_11 = vector.shape_cast %get3A_10 : vector<1x1024x128xf32> to vector<1024x128xf32>
    %add3A = arith.addf %get3A_6, %get3A_11 : vector<1024x128xf32>
    %get3A_12 = arith.constant 0 : index
    %get3A_13 = arith.constant 0 : index
    %get3A_14 = vector.load %arg2[%get3A_12, %get3A_13] : memref<1024x128xf32, #tpu.memory_space<vmem>>, vector<1024x128xf32>
    %add3A_15 = arith.addf %add3A, %get3A_14 : vector<1024x128xf32>
    %mul3A = vector.broadcast %get3A_1 : vector<1024x1xf32> to vector<1024x128xf32>
    %mul3A_16 = arith.mulf %mul3A, %add3A_15 : vector<1024x128xf32>
    %get3A_17 = arith.constant 0 : index
    %get3A_18 = arith.constant 0 : index
    %get3A_19 = vector.load %arg4[%get3A_17, %get3A_18] : memref<1x128xf32, #tpu.memory_space<vmem>>, vector<1x128xf32>
    %add3A_20 = vector.broadcast %get3A_19 : vector<1x128xf32> to vector<1024x128xf32>
    %add3A_21 = arith.addf %mul3A_16, %add3A_20 : vector<1024x128xf32>
    %max3A = arith.constant 0.000000e+00 : f32
    %max3A_22 = vector.broadcast %max3A : f32 to vector<1024x128xf32>
    %max3A_23 = arith.maximumf %add3A_21, %max3A_22 : vector<1024x128xf32>
    %get3A_24 = arith.constant 0 : index
    %get3A_25 = arith.constant 0 : index
    %get3A_26 = vector.load %arg5[%get3A_24, %get3A_25] : memref<128x128xf32, #tpu.memory_space<vmem>>, vector<128x128xf32>
    %dot_general3A = arith.constant dense<0.000000e+00> : vector<1024x128xf32>
    %dot_general3A_27 = tpu.matmul %max3A_23, %get3A_26, %dot_general3A {dimension_numbers = #tpu.dot_dimension_numbers<[1], [0], [0], [1], [0, 0, 1, 1], [], []>, transpose_lhs_hint = false} : vector<1024x128xf32>, vector<128x128xf32>, vector<1024x128xf32> -> vector<1024x128xf32>
    %mul3A_28 = vector.broadcast %get3A_1 : vector<1024x1xf32> to vector<1024x128xf32>
    %mul3A_29 = arith.mulf %mul3A_28, %dot_general3A_27 : vector<1024x128xf32>
    %swap3A = arith.constant 0 : index
    %swap3A_30 = arith.constant 0 : index
    %swap3A_31 = vector.load %arg6[%swap3A, %swap3A_30] : memref<1024x128xf32, #tpu.memory_space<vmem>>, vector<1024x128xf32>
    tpu.vector_store %arg6[%swap3A, %swap3A_30], %mul3A_29 {strides = array<i32>} : memref<1024x128xf32, #tpu.memory_space<vmem>>, vector<1024x128xf32>,
    return
  }
  func.func @transform_0(%arg0: i32) -> (i32, i32, i32) {
    %c0_i32 = arith.constant 0 : i32
    %c0_i32_0 = arith.constant 0 : i32
    %c0_i32_1 = arith.constant 0 : i32
    return %c0_i32, %arg0, %c0_i32_0 : i32, i32, i32
  }
  func.func @transform_1(%arg0: i32) -> (i32, i32) {
    %c0_i32 = arith.constant 0 : i32
    %c0_i32_0 = arith.constant 0 : i32
    return %arg0, %c0_i32 : i32, i32
  }
  func.func @transform_2(%arg0: i32) -> (i32, i32) {
    %c0_i32 = arith.constant 0 : i32
    %c0_i32_0 = arith.constant 0 : i32
    return %arg0, %c0_i32 : i32, i32
  }
  func.func @transform_3(%arg0: i32) -> (i32, i32) {
    %c0_i32 = arith.constant 0 : i32
    %c0_i32_0 = arith.constant 0 : i32
    %c0_i32_1 = arith.constant 0 : i32
    return %c0_i32, %c0_i32_0 : i32, i32
  }
  func.func @transform_4(%arg0: i32) -> (i32, i32) {
    %c0_i32 = arith.constant 0 : i32
    %c0_i32_0 = arith.constant 0 : i32
    %c0_i32_1 = arith.constant 0 : i32
    return %c0_i32, %c0_i32_0 : i32, i32
  }
  func.func @transform_5(%arg0: i32) -> (i32, i32) {
    %c0_i32 = arith.constant 0 : i32
    %c0_i32_0 = arith.constant 0 : i32
    return %arg0, %c0_i32 : i32, i32
  }
}

module attributes {stable_mosaic.version = 14 : i64} {
  func.func @_tc_fin_body(%arg0: i32, %arg1: memref<2x1024x128xf32, #tpu.memory_space<vmem>>, %arg2: memref<1024x128xf32, #tpu.memory_space<vmem>>, %arg3: memref<1024x1xf32, #tpu.memory_space<vmem>>, %arg4: memref<1x128xf32, #tpu.memory_space<vmem>>, %arg5: memref<1024x128xf32, #tpu.memory_space<vmem>>) attributes {dimension_semantics = [#tpu.dimension_semantics<arbitrary>], iteration_bounds = array<i64: 10>, scalar_prefetch = 0 : i64, scratch_operands = 0 : i64, tpu.core_type = #tpu.core_type<tc>, window_params = [{transform_indices = @transform_0, window_bounds = array<i64: 2, 1024, 128>}, {transform_indices = @transform_1, window_bounds = array<i64: 1024, 128>}, {transform_indices = @transform_2, window_bounds = array<i64: 1024, 1>}, {pipeline_mode = #tpu.pipeline_mode<synchronous>, transform_indices = @transform_3, window_bounds = array<i64: 1, 128>}, {transform_indices = @transform_4, window_bounds = array<i64: 1024, 128>}]} {
    %get3A = arith.constant 0 : index
    %get3A_0 = arith.constant 0 : index
    %get3A_1 = vector.load %arg3[%get3A, %get3A_0] : memref<1024x1xf32, #tpu.memory_space<vmem>>, vector<1024x1xf32>
    %get3A_2 = arith.constant 0 : index
    %get3A_3 = arith.constant 0 : index
    %get3A_4 = arith.constant 0 : index
    %get3A_5 = vector.load %arg1[%get3A_2, %get3A_3, %get3A_4] : memref<2x1024x128xf32, #tpu.memory_space<vmem>>, vector<1x1024x128xf32>
    %get3A_6 = vector.shape_cast %get3A_5 : vector<1x1024x128xf32> to vector<1024x128xf32>
    %get3A_7 = arith.constant 1 : index
    %get3A_8 = arith.constant 0 : index
    %get3A_9 = arith.constant 0 : index
    %get3A_10 = vector.load %arg1[%get3A_7, %get3A_8, %get3A_9] : memref<2x1024x128xf32, #tpu.memory_space<vmem>>, vector<1x1024x128xf32>
    %get3A_11 = vector.shape_cast %get3A_10 : vector<1x1024x128xf32> to vector<1024x128xf32>
    %add3A = arith.addf %get3A_6, %get3A_11 : vector<1024x128xf32>
    %get3A_12 = arith.constant 0 : index
    %get3A_13 = arith.constant 0 : index
    %get3A_14 = vector.load %arg2[%get3A_12, %get3A_13] : memref<1024x128xf32, #tpu.memory_space<vmem>>, vector<1024x128xf32>
    %add3A_15 = arith.addf %add3A, %get3A_14 : vector<1024x128xf32>
    %mul3A = vector.broadcast %get3A_1 : vector<1024x1xf32> to vector<1024x128xf32>
    %mul3A_16 = arith.mulf %mul3A, %add3A_15 : vector<1024x128xf32>
    %get3A_17 = arith.constant 0 : index
    %get3A_18 = arith.constant 0 : index
    %get3A_19 = vector.load %arg4[%get3A_17, %get3A_18] : memref<1x128xf32, #tpu.memory_space<vmem>>, vector<1x128xf32>
    %add3A_20 = vector.broadcast %get3A_19 : vector<1x128xf32> to vector<1024x128xf32>
    %add3A_21 = arith.addf %mul3A_16, %add3A_20 : vector<1024x128xf32>
    %swap3A = arith.constant 0 : index
    %swap3A_22 = arith.constant 0 : index
    %swap3A_23 = vector.load %arg5[%swap3A, %swap3A_22] : memref<1024x128xf32, #tpu.memory_space<vmem>>, vector<1024x128xf32>
    tpu.vector_store %arg5[%swap3A, %swap3A_22], %add3A_21 {strides = array<i32>} : memref<1024x128xf32, #tpu.memory_space<vmem>>, vector<1024x128xf32>,
    return
  }
  func.func @transform_0(%arg0: i32) -> (i32, i32, i32) {
    %c0_i32 = arith.constant 0 : i32
    %c0_i32_0 = arith.constant 0 : i32
    %c0_i32_1 = arith.constant 0 : i32
    return %c0_i32, %arg0, %c0_i32_0 : i32, i32, i32
  }
  func.func @transform_1(%arg0: i32) -> (i32, i32) {
    %c0_i32 = arith.constant 0 : i32
    %c0_i32_0 = arith.constant 0 : i32
    return %arg0, %c0_i32 : i32, i32
  }
  func.func @transform_2(%arg0: i32) -> (i32, i32) {
    %c0_i32 = arith.constant 0 : i32
    %c0_i32_0 = arith.constant 0 : i32
    return %arg0, %c0_i32 : i32, i32
  }
  func.func @transform_3(%arg0: i32) -> (i32, i32) {
    %c0_i32 = arith.constant 0 : i32
    %c0_i32_0 = arith.constant 0 : i32
    %c0_i32_1 = arith.constant 0 : i32
    return %c0_i32, %c0_i32_0 : i32, i32
  }
  func.func @transform_4(%arg0: i32) -> (i32, i32) {
    %c0_i32 = arith.constant 0 : i32
    %c0_i32_0 = arith.constant 0 : i32
    return %arg0, %c0_i32 : i32, i32
  }
}

</mosaic_0001>

<sc_bundles>
// kernel: kernel.10.cloned.1.call-start
scs
__scs_entry_jumppad:
0x0: {  	(pc) =	sbr.rel $0x88, $3  }
0x1: {  	(tag) =	ssettag $0x0;
	lr =	simm.s32 $0x1  }
0x2: {  	[smem:$0x3F97] =	sst lr;
	_ =	strace $0xD0000000  }
0x3: {  	_ = 	snop  }
0x4: {  	_ = 	snop  }
0x5: {  	_ = 	snop  }
0x6: {  	_ = 	snop  }
0x7: {  	_ = 	snop  }
__scs_overlays_trampoline_lowered:
0x8: {  	[smem:$0x3FA6] =	sst s0  }
0x9: {  	[smem:$0x3FA7] =	sst s1  }
0xa: {  	[smem:$0x3FA8] =	sst s2  }
0xb: {  	[smem:$0x3FA9] =	sst s3  }
0xc: {  	[smem:$0x3FAA] =	sst s4  }
0xd: {  	[smem:$0x3FAB] =	sst s5  }
0xe: {  	[smem:$0x3FAC] =	sst s6  }
0xf: {  	[smem:$0x3FAD] =	sst s7  }
0x10: {  	[smem:$0x3FAE] =	sst s8  }
0x11: {  	[smem:$0x3FAF] =	sst s9;
	s0 =	simm.s32 @!p0 $0x0  }
0x12: {  	s1 =	sld [smem:$0x3F95];
	s0 =	simm.s32 @p0 $0x1  }
0x13: {  	[smem:$0x3FB0] =	sst s0;
	s0 =	simm.s32 @!p1 $0x0  }
0x14: {  	s2 =	sld [smem:$0x3F94];
	s0 =	simm.s32 @p1 $0x1  }
0x15: {  	[smem:$0x3FB1] =	sst s0;
	s0 =	simm.s32 @!p2 $0x0  }
0x16: {  	s3 =	sld [smem:$0x3FDB];
	s0 =	simm.s32 @p2 $0x1  }
0x17: {  	s4 =	simm.s32 $0x1BF5;
	[smem:$0x3FB3] =	sst s0  }
0x18: {  	s0 =	sld [smem:$0x3F96];
	_ =	swait.ge [sflag:s4], $0x0  }
0x19: {  	s7 =	sld [smem:$0x3F97]  }
0x1a: {  	s8 =	sadd.s32 $0xFFFFE003, lr  }
0x1b: {  	s9 =	sadd.s32 $0xFFFFFEF7, lr;
	s5 =	simm.s32 $0xFFFFFFFF;
	p2 =	slt.u32 s8, $0xFFFFF086  }
0x1c: {  	p1 =	slt.u32 s9, $0xF7A;
	s5 =	simm.s32 @!p2 $0x0  }
0x1d: {  	s5 =	simm.s32 @p1 $0x1;
	p0 =	seq.s32 s7, s2  }
0x1e: {  	s7 =	smul.u32 @!p0 $0xF7A, s2;
	p2 =	seq.s32 @!p0 s5, $0x0  }
0x1f: {  	s9 =	smul.u32 $0xF7A, s1;
	s8 =	simm.s32 @!p0 $0x1BF5;
	p2 =	por !p2, p0  }
0x20: {  	[sflag:s8] =	ssyncset.s32 @!p0 $0xFFFFF086;
	s6 =	sadd.s32 @!p0 s3, s7;
	s7 =	simm.s32 @!p0 $0x108  }
0x21: {  	s3 =	sadd.s32 s3, s9;
	s6 =	sadd.s32 @!p0 $0x88, s6;
	s7 =	simm.s32 @p2 $0x1082  }
0x22: {  	[simem:s7], [sflag:s8] =	dma.local @!p0 [hbm:s6], $0xF7A  }
0x23: {  	s9 =	sor.u32 $0xD0000000, s2;
	s6 =	simm.s32 $0x108;
	_ =	swait.ge @!p0 [sflag:s8], $0x0  }
0x24: {  	s3 =	sadd.s32 $0x88, s3;
	s6 =	simm.s32 @!p1 $0x1082;
	[sflag:s4] =	ssyncset.s32 $0xFFFFF086  }
0x25: {  	[simem:s6], [sflag:s4] =	dma.local [hbm:s3], $0xF7A  }
0x26: {  	[smem:$0x3F97] =	sst s1;
	(tag) =	ssettag s2;
	_ =	strace s9  }
0x27: {  	s1 =	sld [smem:$0x3FA7]  }
0x28: {  	s2 =	sld [smem:$0x3FA8]  }
0x29: {  	s4 =	sld [smem:$0x3FAA]  }
0x2a: {  	p0 =	seq.s32 s5, $0x0;
	s5 =	sld [smem:$0x3FAB]  }
0x2b: {  	s6 =	sld [smem:$0x3FAC]  }
0x2c: {  	s7 =	sld [smem:$0x3FAD]  }
0x2d: {  	s3 =	simm.s32 $0x108;
	s8 =	sld [smem:$0x3FAE]  }
0x2e: {  	s3 =	simm.s32 @!p0 $0x1082;
	s9 =	sld [smem:$0x3FAF]  }
0x2f: {  	lr =	sadd.s32 s0, s3;
	s0 =	sld [smem:$0x3FA6]  }
0x30: {  	s3 =	sld [smem:$0x3FA9]  }
0x31: {  	[smem:$0x3FB2] =	sst s10  }
0x32: {  	s10 =	sld [smem:$0x3FB0];
	_ =	sdelay $0x3  }
0x33: {  	p0 =	seq.s32 s10, $0x1;
	s10 =	sld [smem:$0x3FB2];
	_ =	sdelay $0x3  }
0x34: {  	[smem:$0x3FB2] =	sst s10  }
0x35: {  	s10 =	sld [smem:$0x3FB1];
	_ =	sdelay $0x3  }
0x36: {  	p1 =	seq.s32 s10, $0x1;
	s10 =	sld [smem:$0x3FB2];
	_ =	sdelay $0x3  }
0x37: {  	[smem:$0x3FB2] =	sst s10  }
0x38: {  	s10 =	sld [smem:$0x3FB3]  }
0x39: {  	_ = 	snop;
	(pc) =	sbr.ind lr, $3  }
0x3a: {  	_ = 	snop  }
0x3b: {  	_ = 	snop  }
0x3c: {  	p2 =	seq.s32 s10, $0x1;
	s10 =	sld [smem:$0x3FB2]  }
0x3d: {  	_ =	shalt  }
0x3e: {  	_ =	shalt  }
0x3f: {  	_ =	shalt  }
0x40: {  	_ =	shalt  }
0x41: {  	_ =	shalt  }
0x42: {  	_ =	shalt  }
0x43: {  	_ =	shalt  }
0x44: {  	_ =	shalt  }
0x45: {  	_ =	shalt  }
0x46: {  	_ =	shalt  }
0x47: {  	_ =	shalt  }
0x48: {  	_ =	shalt  }
0x49: {  	_ =	shalt  }
0x4a: {  	_ =	shalt  }
0x4b: {  	_ =	shalt  }
0x4c: {  	_ =	shalt  }
0x4d: {  	_ =	shalt  }
0x4e: {  	_ =	shalt  }
0x4f: {  	_ =	shalt  }
0x50: {  	_ =	shalt  }
0x51: {  	_ =	shalt  }
0x52: {  	_ =	shalt  }
0x53: {  	_ =	shalt  }
0x54: {  	_ =	shalt  }
0x55: {  	_ =	shalt  }
0x56: {  	_ =	shalt  }
0x57: {  	_ =	shalt  }
0x58: {  	_ =	shalt  }
0x59: {  	_ =	shalt  }
0x5a: {  	_ =	shalt  }
0x5b: {  	_ =	shalt  }
0x5c: {  	_ =	shalt  }
0x5d: {  	_ =	shalt  }
0x5e: {  	_ =	shalt  }
0x5f: {  	_ =	shalt  }
0x60: {  	_ =	shalt  }
0x61: {  	_ =	shalt  }
0x62: {  	_ =	shalt  }
0x63: {  	_ =	shalt  }
0x64: {  	_ =	shalt  }
0x65: {  	_ =	shalt  }
0x66: {  	_ =	shalt  }
0x67: {  	_ =	shalt  }
0x68: {  	_ =	shalt  }
0x69: {  	_ =	shalt  }
0x6a: {  	_ =	shalt  }
0x6b: {  	_ =	shalt  }
0x6c: {  	_ =	shalt  }
0x6d: {  	_ =	shalt  }
0x6e: {  	_ =	shalt  }
0x6f: {  	_ =	shalt  }
0x70: {  	_ =	shalt  }
0x71: {  	_ =	shalt  }
0x72: {  	_ =	shalt  }
0x73: {  	_ =	shalt  }
0x74: {  	_ =	shalt  }
0x75: {  	_ =	shalt  }
0x76: {  	_ =	shalt  }
0x77: {  	_ =	shalt  }
0x78: {  	_ =	shalt  }
0x79: {  	_ =	shalt  }
0x7a: {  	_ =	shalt  }
0x7b: {  	_ =	shalt  }
0x7c: {  	_ =	shalt  }
0x7d: {  	_ =	shalt  }
0x7e: {  	_ =	shalt  }
0x7f: {  	_ =	shalt  }
0x80: {  	_ =	shalt  }
0x81: {  	_ =	shalt  }
0x82: {  	_ =	shalt  }
0x83: {  	_ =	shalt  }
0x84: {  	_ =	shalt  }
0x85: {  	_ =	shalt  }
0x86: {  	_ =	shalt  }
0x87: {  	_ =	shalt  }
.Lfunc_end0:
.L_simem_size_0:
called_computation_lowered:
.L_overlay_start_0:
0x88: {  	s2 =	sld [smem:$0x3FD9]  }
0x89: {  	s3 =	sld [smem:$0x3FFE];
	_ =	sdelay $0x1  }
0x8a: {  	s1 =	srdreg.scid  }
0x8b: {  	s0 =	sand.u32 $0x1, s1  }
0x8c: {  	s14 =	sshll.u32 s0, $0xA;
	s2 =	sadd.s32 s3, s2  }
0x8d: {  	s2 =	sadd.s32 s2, s14  }
0x8e: {  	[smem:$0x3FBE] =	sst s2  }
0x8f: {  	_ = 	snop  }
0x90: {  	s2 =	sld [smem:$0x3FD0];
	_ =	sdelay $0x2  }
0x91: {  	s15 =	simm.s32 $0xA;
	s4 =	simm.s32 $0x10  }
0x92: {  	[smem:s4], [sflag:s15] =	dma.local [hbm:s2], $0x1  }
0x93: {  	_ =	swait.eq [sflag:s15], $0x1  }
0x94: {  	[sflag:s15] =	ssyncset.done $0x0  }
0x95: {  	[sflag:s15] =	ssyncadd.s32 $0xFFFFFFFF  }
0x96: {  	s16 =	sld [smem:$0x11];
	(tm) =	ssettm $0x1  }
0x97: {  	s17 =	sld [smem:$0x3FFB];
	_ =	sdelay $0x3  }
0x98: {  	_ =	strace s17  }
0x99: {  	s3 =	sld [smem:$0x3FFC];
	_ =	sdelay $0x3  }
0x9a: {  	_ =	strace s3  }
0x9b: {  	s3 =	sld [smem:$0x3FFD];
	_ =	sdelay $0x3  }
0x9c: {  	_ =	strace s3  }
0x9d: {  	_ =	strace $0x8FFFFFFF  }
0x9e: {  	s18 =	sld [smem:$0x3FDB];
	_ =	sdelay $0x1  }
0x9f: {  	s19 =	simm.s32 $_scs_section_size  }
0xa0: {  	s5 =	simm.s32 $_size__tile_overlayer_lowered;
	s6 =	simm.s32 $_tile_overlayer_lowered  }
0xa1: {  	s22 =	simm.s32 $0x1BFF;
	s21 =	sshll.u32 s6, $0x1;
	s3 =	sadd.s32 s19, s18  }
0xa2: {  	s7 =	simm.s32 $0x0;
	s20 =	sshll.u32 s5, $0x1;
	s5 =	sadd.s32 s21, s3  }
0xa3: {  	[timem:s7], [sflag:s22] =	dma.local [hbm:s5], s20  }
0xa4: {  	_ =	swait.ge [sflag:s22], s20  }
0xa5: {  	s4 =	ssub.s32 $0x0, s20;
	[sflag:s22] =	ssyncset.done $0x0  }
0xa6: {  	[sflag:s22] =	ssyncadd.s32 s4;
	_ =	sdelay $0x1  }
0xa7: {  	s23 =	simm.s32 $0x1B8B  }
0xa8: {  	_ =	swait.ge [sflag:s23], $0x1  }
0xa9: {  	[sflag:s23] =	ssyncset.done $0x0  }
0xaa: {  	s25 =	simm.s32 $0x1B8E;
	s24 =	sld [smem:$0x3FFE];
	[sflag:s23] =	ssyncadd.s32 $0xFFFFFFFF  }
0xab: {  	s26 =	simm.s32 $execute0_lowered;
	[smem:$0x3FD2] =	sst s25  }
0xac: {  	s5 =	sshll.u32 s26, $0x1;
	_ =	strace $0x80000046;
	[dreg:$0x1] =	wrdreg $0xFFFFFFFF  }
0xad: {  	s28 =	simm.s32 $_size_execute0_lowered;
	s3 =	sadd.s32 s3, s5;
	[dreg:$0x0] =	wrdreg $0x0  }
0xae: {  	s5 =	sshll.u32 s28, $0x1;
	[dreg:$0x2] =	wrdreg s3  }
0xaf: {  	[dreg:$0x3] =	wrdreg s5  }
0xb0: {  	[dreg:$0x4] =	wrdreg $0xC0  }
0xb1: {  	_ =	task [dreg:s7], $0x5FFFF  }
0xb2: {  	[dreg:$0x1] =	wrdreg $0xFFFFFFFF  }
0xb3: {  	[dreg:$0x0] =	wrdreg $0x60  }
0xb4: {  	[dreg:$0x2] =	wrdreg s16  }
0xb5: {  	[dreg:$0x3] =	wrdreg s24  }
0xb6: {  	[dreg:$0x4] =	wrdreg $0x68000  }
0xb7: {  	[dreg:$0x5] =	wrdreg $0x9  }
0xb8: {  	_ =	task.clear_ibuf [dreg:s7], $0x6FFFF;
	_ =	strace $0x90000046  }
0xb9: {  	s29 =	simm.s32 $0x9;
	_ =	strace $0x80000048  }
0xba: {  	_ =	swait.ge [sflag:s29], $0x1  }
0xbb: {  	[sflag:s29] =	ssyncadd.s32 $0xFFFFFFFF  }
0xbc: {  	_ =	strace $0x90000048  }
0xbd: {  	_ =	sfence  }
0xbe: {  	s30 =	sld [smem:$0x0];
	_ =	sdelay $0x2  }
0xbf: {  	s31 =	sshll.u32 s1, $0xD;
	s1 =	sshrl.u32 s1, $0x2  }
0xc0: {  	s3 =	sand.u32 $0x4000, s31;
	s1 =	sadd.s32 s1, s30  }
0xc1: {  	s0 =	sor.u32 s3, s0;
	s1 =	sshll.u32 s1, $0x11  }
0xc2: {  	s0 =	sor.u32 s1, s0  }
0xc3: {  	s0 =	sadd.s32 $0x8F2B, s0  }
0xc4: {  	[sflag:s0] =	ssyncadd.remote.s32 $0x1  }
0xc5: {  	_ =	sfence.sel $0xFFFF  }
0xc6: {  	[dreg:$0x0] =	wrdreg $0xFFFFFFFF;
	(pc) =	sbr.abs _section_cstart, $3  }
0xc7: {  	[dreg:$0x1] =	wrdreg $0xFFFFFFFF  }
0xc8: {  	_ =	task.clear_ibuf [dreg:s7], $0x2FFFF;
	_ =	strace $0x9FFFFFFF  }
0xc9: {  	(tm) =	ssettm $0x7FFFFFFF  }
tec
execute0_lowered:
.L_overlay_start_1:
0x0: {  	(tag) =	ssettag $0x1  }
0x1: {  	s7 =	rddreg [dreg:$0x0]  }
0x2: {  	s6 =	rddreg [dreg:$0x1]  }
0x3: {  	s0 =	srdreg.scid;
	s2 =	rddreg [dreg:$0x2]  }
0x4: {  	s1 =	stileid.u32;
	s3 =	simm.s32 $0x0;
	s13 =	simm.s32 $0x80  }
0x5: {  	s14 =	simm.s32 $0x1;
	s8 =	sand.u32 $0x1, s0;
	s0 =	rddreg [dreg:$0x3]  }
0x6: {  	s15 =	simm.s32 $0x0;
	s5 =	smul.u32 $0x14000, s1;
	[smem:$0x7FF] =	sst s3  }
0x7: {  	s11 =	smul.u32 $0x50000, s1;
	s12 =	sshll.u32 s1, $0x1;
	s31 =	sshll.u32 s1, $0x6  }
0x8: {  	s4 =	smul.u32 $0x140000, s8;
	_ =	strace $0x80000047;
	s10 =	ssub.s32 $0x2, s8  }
0x9: {  	s8 =	sor.u32 s8, s12;
	s12 =	simm.s32 $0x2800;
	s30 =	sshrl.u32 s10, $0x1  }
0xa: {  	s11 =	sshrl.u32 s11, $0x2;
	s8 =	smul.u32 $0x500, s8;
	s9 =	sadd.s32 s5, s4  }
0xb: {  	s4 =	sadd.s32 $0x5800, s6;
	s5 =	sadd.s32 $0x3000, s6;
	s9 =	sshrl.u32 s9, $0x3  }
0xc: {  	s10 =	ssub.s32 s10, s30;
	s11 =	sadd.s32 s11, s2;
	s9 =	sadd.s32 s9, s6  }
0xd: {  	s7 =	sadd.s32 s7, s8;
	s6 =	sor.u32 $0x1C02, s31;
	s8 =	sadd.s32 $0x6000, s9  }
0xe: {  	s9 =	smax.u32 s10, $0x1;
	s10 =	sshrl.u32 s11, $0x3;
	s11 =	simm.s32 $0x2  }
.LBB2_1:
0xf: {  	[spmem:s10], [sflag:s6] =	dma.local [hbm:s5], $0x2800  }
0x10: {  	_ =	swait.ge [sflag:s11], $0x2800  }
0x11: {  	[sflag:s11] =	ssyncset.done $0x0  }
0x12: {  	[sflag:s11] =	ssyncadd.s32 $0xFFFFD800  }
0x13: {  	[tilespmem:s12], [sflag:$0x2] =	stream.linear.gather [hbm4b:s4+s3], $0x4000, $0x38;
	[tilespmem:$0x1A800] =	vst v63  }
0x14: {  	_ =	swait.ge [sflag:s11], $0x4000  }
0x15: {  	[sflag:s11] =	ssyncset.done $0x0  }
0x16: {  	[sflag:s11] =	ssyncadd.s32 $0xFFFFC000  }
0x17: {  	[tilespmem:s3], [sflag:$0x2] =	stream.linear.gather [hbm4b:s7+s3], $0x2780, $0x38;
	[tilespmem:$0x1A800] =	vst v63  }
0x18: {  	_ =	swait.ge [sflag:s11], $0x2780  }
0x19: {  	[sflag:s11] =	ssyncset.done $0x0  }
0x1a: {  	[sflag:s11] =	ssyncadd.s32 $0xFFFFD880  }
0x1b: {  	s16 =	simm.s32 $0x0;
	[bflag:$0x0] =	sbarrier.arrive $0xFFFF  }
.LBB2_2:
0x1c: {  	p0 =	sne.s32 s16, $0x9C00  }
.Ltmp0:
0x1d: {  	_ = 	snop;
	(pc) =	sbr.rel @p0 .LBB2_2-.Ltmp0, $3  }
0x1e: {  	_ =	sdelay $0x1  }
0x1f: {  	s17 =	sshra.s32 s16, $0x2;
	s16 =	sadd.s32 $0x200, s16  }
0x20: {  	[spmem:s2] =	stream.indirect.scatter.add.f32 [tilespmem:s12], [sflag:$0x1], $0x80, s17, s13, $0xb8;
	[tilespmem:$0x1A800] =	vst v63  }
0x21: {  	_ =	swait.ge [sflag:s14], $0x4000  }
0x22: {  	s16 =	simm.s32 $0x4E;
	[sflag:s14] =	ssyncset.done $0x0  }
.LBB2_4:
0x23: {  	p0 =	sne.s32 s16, $0x1;
	s16 =	sadd.s32 $0xFFFFFFFF, s16;
	[sflag:s14] =	ssyncadd.s32 $0xFFFFC000  }
.Ltmp1:
0x24: {  	(pc) =	sbr.rel @p0 .LBB2_4-.Ltmp1, $3  }
0x25: {  	_ =	sdelay $0x1  }
0x26: {  	_ =	swait.ge [sflag:s14], $0x4000  }
0x27: {  	[sflag:s14] =	ssyncset.done $0x0  }
0x28: {  	s15 =	sadd.s32 $0x1, s15  }
0x29: {  	[sflag:s14] =	ssyncadd.s32 $0xFFFFC000;
	p0 =	sne.s32 s15, s9  }
.Ltmp2:
0x2a: {  	[bflag:$0x0] =	sbarrier.arrive $0xFFFF;
	(pc) =	sbr.rel @p0 .LBB2_1-.Ltmp2, $4  }
0x2b: {  	[hbm:s8], [sflag:s6] =	dma.local [spmem:s10], $0x2800  }
0x2c: {  	_ =	swait.ge [sflag:s11], $0x2800  }
0x2d: {  	[sflag:s11] =	ssyncset.done $0x0  }
0x2e: {  	[sflag:s11] =	ssyncadd.s32 $0xFFFFD800  }
0x2f: {  	_ =	sfence.sel $0x180000  }
0x30: {  	[bflag:$0x0] =	sbarrier.arrive $0xFFFF  }
0x31: {  	p0 =	sne.s32 s1, $0x0;
	_ =	strace $0x90000047  }
0x32: {  	s0 =	sadd.s32 @!p0 $0x100000, s0;
	[bflag:$0x2] =	sbarrier.arrive $0xFFFF  }
0x33: {  	[sflag:s0] =	ssyncadd.tile.s32 @!p0 $0x1;
	_ =	shalt  }
.Lfunc_end2:
_tile_overlayer_lowered:
.L_overlay_start_2:
0x34: {  	(tag) =	ssettag $0x2  }
0x35: {  	s0 =	rddreg [dreg:$0x0];
	s2 =	stileid.u32  }
0x36: {  	s1 =	rddreg [dreg:$0x1];
	p0 =	sne.s32 s2, $0x0  }
0x37: {  	s3 =	rddreg [dreg:$0x2];
	[bflag:$0x3] =	sbarrier.arrive $0xFFFF;
	s2 =	simm.s32 @!p0 $0x1C02  }
0x38: {  	[timem:s3], [sflag:s2] =	dma.local @!p0 [hbm:s0], s1  }
0x39: {  	s0 =	simm.s32 @!p0 $0x2  }
0x3a: {  	_ =	swait.ge @!p0 [sflag:s0], s1  }
0x3b: {  	s1 =	ssub.s32 @!p0 $0x0, s1;
	[sflag:s0] =	ssyncset.done @!p0 $0x0  }
0x3c: {  	[sflag:s0] =	ssyncadd.s32 @!p0 s1  }
0x3d: {  	[bflag:$0x3] =	sbarrier.arrive $0xFFFF  }
0x3e: {  	_ =	shalt  }

// kernel: kernel.13.cloned.1.call-start
scs
__scs_entry_jumppad:
0x0: {  	(pc) =	sbr.rel $0x88, $3  }
0x1: {  	(tag) =	ssettag $0x0;
	lr =	simm.s32 $0x1  }
0x2: {  	[smem:$0x3F97] =	sst lr;
	_ =	strace $0xD0000000  }
0x3: {  	_ = 	snop  }
0x4: {  	_ = 	snop  }
0x5: {  	_ = 	snop  }
0x6: {  	_ = 	snop  }
0x7: {  	_ = 	snop  }
__scs_overlays_trampoline_lowered:
0x8: {  	[smem:$0x3FA6] =	sst s0  }
0x9: {  	[smem:$0x3FA7] =	sst s1  }
0xa: {  	[smem:$0x3FA8] =	sst s2  }
0xb: {  	[smem:$0x3FA9] =	sst s3  }
0xc: {  	[smem:$0x3FAA] =	sst s4  }
0xd: {  	[smem:$0x3FAB] =	sst s5  }
0xe: {  	[smem:$0x3FAC] =	sst s6  }
0xf: {  	[smem:$0x3FAD] =	sst s7  }
0x10: {  	[smem:$0x3FAE] =	sst s8  }
0x11: {  	[smem:$0x3FAF] =	sst s9;
	s0 =	simm.s32 @!p0 $0x0  }
0x12: {  	s1 =	sld [smem:$0x3F95];
	s0 =	simm.s32 @p0 $0x1  }
0x13: {  	[smem:$0x3FB0] =	sst s0;
	s0 =	simm.s32 @!p1 $0x0  }
0x14: {  	s2 =	sld [smem:$0x3F94];
	s0 =	simm.s32 @p1 $0x1  }
0x15: {  	[smem:$0x3FB1] =	sst s0;
	s0 =	simm.s32 @!p2 $0x0  }
0x16: {  	s3 =	sld [smem:$0x3FDB];
	s0 =	simm.s32 @p2 $0x1  }
0x17: {  	s4 =	simm.s32 $0x1BF5;
	[smem:$0x3FB3] =	sst s0  }
0x18: {  	s0 =	sld [smem:$0x3F96];
	_ =	swait.ge [sflag:s4], $0x0  }
0x19: {  	s7 =	sld [smem:$0x3F97]  }
0x1a: {  	s8 =	sadd.s32 $0xFFFFE003, lr  }
0x1b: {  	s9 =	sadd.s32 $0xFFFFFEF7, lr;
	s5 =	simm.s32 $0xFFFFFFFF;
	p2 =	slt.u32 s8, $0xFFFFF086  }
0x1c: {  	p1 =	slt.u32 s9, $0xF7A;
	s5 =	simm.s32 @!p2 $0x0  }
0x1d: {  	s5 =	simm.s32 @p1 $0x1;
	p0 =	seq.s32 s7, s2  }
0x1e: {  	s7 =	smul.u32 @!p0 $0xF7A, s2;
	p2 =	seq.s32 @!p0 s5, $0x0  }
0x1f: {  	s9 =	smul.u32 $0xF7A, s1;
	s8 =	simm.s32 @!p0 $0x1BF5;
	p2 =	por !p2, p0  }
0x20: {  	[sflag:s8] =	ssyncset.s32 @!p0 $0xFFFFF086;
	s6 =	sadd.s32 @!p0 s3, s7;
	s7 =	simm.s32 @!p0 $0x108  }
0x21: {  	s3 =	sadd.s32 s3, s9;
	s6 =	sadd.s32 @!p0 $0x88, s6;
	s7 =	simm.s32 @p2 $0x1082  }
0x22: {  	[simem:s7], [sflag:s8] =	dma.local @!p0 [hbm:s6], $0xF7A  }
0x23: {  	s9 =	sor.u32 $0xD0000000, s2;
	s6 =	simm.s32 $0x108;
	_ =	swait.ge @!p0 [sflag:s8], $0x0  }
0x24: {  	s3 =	sadd.s32 $0x88, s3;
	s6 =	simm.s32 @!p1 $0x1082;
	[sflag:s4] =	ssyncset.s32 $0xFFFFF086  }
0x25: {  	[simem:s6], [sflag:s4] =	dma.local [hbm:s3], $0xF7A  }
0x26: {  	[smem:$0x3F97] =	sst s1;
	(tag) =	ssettag s2;
	_ =	strace s9  }
0x27: {  	s1 =	sld [smem:$0x3FA7]  }
0x28: {  	s2 =	sld [smem:$0x3FA8]  }
0x29: {  	s4 =	sld [smem:$0x3FAA]  }
0x2a: {  	p0 =	seq.s32 s5, $0x0;
	s5 =	sld [smem:$0x3FAB]  }
0x2b: {  	s6 =	sld [smem:$0x3FAC]  }
0x2c: {  	s7 =	sld [smem:$0x3FAD]  }
0x2d: {  	s3 =	simm.s32 $0x108;
	s8 =	sld [smem:$0x3FAE]  }
0x2e: {  	s3 =	simm.s32 @!p0 $0x1082;
	s9 =	sld [smem:$0x3FAF]  }
0x2f: {  	lr =	sadd.s32 s0, s3;
	s0 =	sld [smem:$0x3FA6]  }
0x30: {  	s3 =	sld [smem:$0x3FA9]  }
0x31: {  	[smem:$0x3FB2] =	sst s10  }
0x32: {  	s10 =	sld [smem:$0x3FB0];
	_ =	sdelay $0x3  }
0x33: {  	p0 =	seq.s32 s10, $0x1;
	s10 =	sld [smem:$0x3FB2];
	_ =	sdelay $0x3  }
0x34: {  	[smem:$0x3FB2] =	sst s10  }
0x35: {  	s10 =	sld [smem:$0x3FB1];
	_ =	sdelay $0x3  }
0x36: {  	p1 =	seq.s32 s10, $0x1;
	s10 =	sld [smem:$0x3FB2];
	_ =	sdelay $0x3  }
0x37: {  	[smem:$0x3FB2] =	sst s10  }
0x38: {  	s10 =	sld [smem:$0x3FB3]  }
0x39: {  	_ = 	snop;
	(pc) =	sbr.ind lr, $3  }
0x3a: {  	_ = 	snop  }
0x3b: {  	_ = 	snop  }
0x3c: {  	p2 =	seq.s32 s10, $0x1;
	s10 =	sld [smem:$0x3FB2]  }
0x3d: {  	_ =	shalt  }
0x3e: {  	_ =	shalt  }
0x3f: {  	_ =	shalt  }
0x40: {  	_ =	shalt  }
0x41: {  	_ =	shalt  }
0x42: {  	_ =	shalt  }
0x43: {  	_ =	shalt  }
0x44: {  	_ =	shalt  }
0x45: {  	_ =	shalt  }
0x46: {  	_ =	shalt  }
0x47: {  	_ =	shalt  }
0x48: {  	_ =	shalt  }
0x49: {  	_ =	shalt  }
0x4a: {  	_ =	shalt  }
0x4b: {  	_ =	shalt  }
0x4c: {  	_ =	shalt  }
0x4d: {  	_ =	shalt  }
0x4e: {  	_ =	shalt  }
0x4f: {  	_ =	shalt  }
0x50: {  	_ =	shalt  }
0x51: {  	_ =	shalt  }
0x52: {  	_ =	shalt  }
0x53: {  	_ =	shalt  }
0x54: {  	_ =	shalt  }
0x55: {  	_ =	shalt  }
0x56: {  	_ =	shalt  }
0x57: {  	_ =	shalt  }
0x58: {  	_ =	shalt  }
0x59: {  	_ =	shalt  }
0x5a: {  	_ =	shalt  }
0x5b: {  	_ =	shalt  }
0x5c: {  	_ =	shalt  }
0x5d: {  	_ =	shalt  }
0x5e: {  	_ =	shalt  }
0x5f: {  	_ =	shalt  }
0x60: {  	_ =	shalt  }
0x61: {  	_ =	shalt  }
0x62: {  	_ =	shalt  }
0x63: {  	_ =	shalt  }
0x64: {  	_ =	shalt  }
0x65: {  	_ =	shalt  }
0x66: {  	_ =	shalt  }
0x67: {  	_ =	shalt  }
0x68: {  	_ =	shalt  }
0x69: {  	_ =	shalt  }
0x6a: {  	_ =	shalt  }
0x6b: {  	_ =	shalt  }
0x6c: {  	_ =	shalt  }
0x6d: {  	_ =	shalt  }
0x6e: {  	_ =	shalt  }
0x6f: {  	_ =	shalt  }
0x70: {  	_ =	shalt  }
0x71: {  	_ =	shalt  }
0x72: {  	_ =	shalt  }
0x73: {  	_ =	shalt  }
0x74: {  	_ =	shalt  }
0x75: {  	_ =	shalt  }
0x76: {  	_ =	shalt  }
0x77: {  	_ =	shalt  }
0x78: {  	_ =	shalt  }
0x79: {  	_ =	shalt  }
0x7a: {  	_ =	shalt  }
0x7b: {  	_ =	shalt  }
0x7c: {  	_ =	shalt  }
0x7d: {  	_ =	shalt  }
0x7e: {  	_ =	shalt  }
0x7f: {  	_ =	shalt  }
0x80: {  	_ =	shalt  }
0x81: {  	_ =	shalt  }
0x82: {  	_ =	shalt  }
0x83: {  	_ =	shalt  }
0x84: {  	_ =	shalt  }
0x85: {  	_ =	shalt  }
0x86: {  	_ =	shalt  }
0x87: {  	_ =	shalt  }
.Lfunc_end0:
.L_simem_size_0:
called_computation.1_lowered:
.L_overlay_start_0:
0x88: {  	s2 =	sld [smem:$0x3FD9]  }
0x89: {  	s3 =	sld [smem:$0x3FFE];
	_ =	sdelay $0x1  }
0x8a: {  	s1 =	srdreg.scid  }
0x8b: {  	s0 =	sand.u32 $0x1, s1  }
0x8c: {  	s14 =	sshll.u32 s0, $0xA;
	s2 =	sadd.s32 s3, s2  }
0x8d: {  	s2 =	sadd.s32 s2, s14  }
0x8e: {  	[smem:$0x3FBE] =	sst s2  }
0x8f: {  	_ = 	snop  }
0x90: {  	s2 =	sld [smem:$0x3FD0];
	_ =	sdelay $0x2  }
0x91: {  	s15 =	simm.s32 $0xA;
	s4 =	simm.s32 $0x10  }
0x92: {  	[smem:s4], [sflag:s15] =	dma.local [hbm:s2], $0x1  }
0x93: {  	_ =	swait.eq [sflag:s15], $0x1  }
0x94: {  	[sflag:s15] =	ssyncset.done $0x0  }
0x95: {  	s16 =	sld [smem:$0x10];
	[sflag:s15] =	ssyncadd.s32 $0xFFFFFFFF  }
0x96: {  	s17 =	sld [smem:$0x11];
	(tm) =	ssettm $0x1  }
0x97: {  	s18 =	sld [smem:$0x3FFB];
	_ =	sdelay $0x3  }
0x98: {  	_ =	strace s18  }
0x99: {  	s4 =	sld [smem:$0x3FFC];
	_ =	sdelay $0x3  }
0x9a: {  	_ =	strace s4  }
0x9b: {  	s4 =	sld [smem:$0x3FFD];
	_ =	sdelay $0x3  }
0x9c: {  	_ =	strace s4  }
0x9d: {  	_ =	strace $0x8FFFFFFF  }
0x9e: {  	s19 =	sld [smem:$0x3FDB];
	_ =	sdelay $0x1  }
0x9f: {  	s5 =	simm.s32 $_scs_section_size  }
0xa0: {  	s6 =	simm.s32 $_size__tile_overlayer_lowered;
	s7 =	simm.s32 $_tile_overlayer_lowered  }
0xa1: {  	s22 =	simm.s32 $0x1BFF;
	s21 =	sshll.u32 s7, $0x1;
	s4 =	sadd.s32 s5, s19  }
0xa2: {  	s8 =	simm.s32 $0x0;
	s20 =	sshll.u32 s6, $0x1;
	s6 =	sadd.s32 s21, s4  }
0xa3: {  	[timem:s8], [sflag:s22] =	dma.local [hbm:s6], s20  }
0xa4: {  	_ =	swait.ge [sflag:s22], s20  }
0xa5: {  	s5 =	ssub.s32 $0x0, s20;
	[sflag:s22] =	ssyncset.done $0x0  }
0xa6: {  	[sflag:s22] =	ssyncadd.s32 s5;
	_ =	sdelay $0x1  }
0xa7: {  	s23 =	simm.s32 $0x1B8B  }
0xa8: {  	_ =	swait.ge [sflag:s23], $0x1  }
0xa9: {  	[sflag:s23] =	ssyncset.done $0x0  }
0xaa: {  	s25 =	simm.s32 $0x1B8E;
	s24 =	sld [smem:$0x3FFE];
	[sflag:s23] =	ssyncadd.s32 $0xFFFFFFFF  }
0xab: {  	s26 =	simm.s32 $execute0_lowered;
	[smem:$0x3FD2] =	sst s25  }
0xac: {  	s6 =	sshll.u32 s26, $0x1;
	_ =	strace $0x80000049;
	[dreg:$0x1] =	wrdreg $0xFFFFFFFF  }
0xad: {  	s28 =	simm.s32 $_size_execute0_lowered;
	s4 =	sadd.s32 s4, s6;
	[dreg:$0x0] =	wrdreg $0x0  }
0xae: {  	s6 =	sshll.u32 s28, $0x1;
	[dreg:$0x2] =	wrdreg s4  }
0xaf: {  	[dreg:$0x3] =	wrdreg s6  }
0xb0: {  	[dreg:$0x4] =	wrdreg $0xC0  }
0xb1: {  	_ =	task [dreg:s8], $0x5FFFF  }
0xb2: {  	[dreg:$0x1] =	wrdreg $0xFFFFFFFF  }
0xb3: {  	[dreg:$0x0] =	wrdreg $0x60  }
0xb4: {  	[dreg:$0x2] =	wrdreg s24  }
0xb5: {  	[dreg:$0x3] =	wrdreg s16  }
0xb6: {  	[dreg:$0x4] =	wrdreg s17  }
0xb7: {  	[dreg:$0x5] =	wrdreg $0x90000  }
0xb8: {  	[dreg:$0x6] =	wrdreg $0x9  }
0xb9: {  	_ =	task.clear_ibuf [dreg:s8], $0x7FFFF;
	_ =	strace $0x90000049  }
0xba: {  	s29 =	simm.s32 $0x9;
	_ =	strace $0x8000004B  }
0xbb: {  	_ =	swait.ge [sflag:s29], $0x1  }
0xbc: {  	[sflag:s29] =	ssyncadd.s32 $0xFFFFFFFF  }
0xbd: {  	_ =	strace $0x9000004B  }
0xbe: {  	_ =	sfence  }
0xbf: {  	s30 =	sld [smem:$0x0];
	_ =	sdelay $0x2  }
0xc0: {  	s31 =	sshll.u32 s1, $0xD;
	s1 =	sshrl.u32 s1, $0x2  }
0xc1: {  	s3 =	sand.u32 $0x4000, s31;
	s1 =	sadd.s32 s1, s30  }
0xc2: {  	s0 =	sor.u32 s3, s0;
	s1 =	sshll.u32 s1, $0x11  }
0xc3: {  	s0 =	sor.u32 s1, s0  }
0xc4: {  	s0 =	sadd.s32 $0x8F2B, s0  }
0xc5: {  	[sflag:s0] =	ssyncadd.remote.s32 $0x1  }
0xc6: {  	_ =	sfence.sel $0xFFFF  }
0xc7: {  	[dreg:$0x0] =	wrdreg $0xFFFFFFFF;
	(pc) =	sbr.abs _section_cstart, $3  }
0xc8: {  	[dreg:$0x1] =	wrdreg $0xFFFFFFFF  }
0xc9: {  	_ =	task.clear_ibuf [dreg:s8], $0x2FFFF;
	_ =	strace $0x9FFFFFFF  }
0xca: {  	(tm) =	ssettm $0x7FFFFFFF  }
0xcb: {  	_ =	shalt  }
tec
execute0_lowered:
.L_overlay_start_1:
0x0: {  	(tag) =	ssettag $0x1  }
0x1: {  	s6 =	rddreg [dreg:$0x0]  }
0x2: {  	s7 =	rddreg [dreg:$0x1]  }
0x3: {  	s8 =	rddreg [dreg:$0x2];
	s0 =	srdreg.scid  }
0x4: {  	s2 =	rddreg [dreg:$0x3];
	s1 =	stileid.u32  }
0x5: {  	s3 =	simm.s32 $0x0;
	s14 =	simm.s32 $0x80;
	s15 =	simm.s32 $0x5000  }
0x6: {  	s16 =	simm.s32 $0x0;
	s9 =	sand.u32 $0x1, s0;
	s0 =	rddreg [dreg:$0x4]  }
0x7: {  	s10 =	smul.u32 $0x14000, s1;
	[smem:$0x7FF] =	sst s3;
	s4 =	sadd.s32 $0x5800, s6  }
0x8: {  	s11 =	sshll.u32 s1, $0x1;
	s13 =	smul.u32 $0x50000, s1;
	s31 =	sshll.u32 s1, $0x6  }
0x9: {  	s5 =	smul.u32 $0x140000, s9;
	s12 =	ssub.s32 $0x2, s9;
	s9 =	sor.u32 s9, s11  }
0xa: {  	_ =	strace $0x8000004A;
	s28 =	sshrl.u32 s12, $0x1;
	s9 =	smul.u32 $0x500, s9  }
0xb: {  	s30 =	sshrl.u32 s13, $0x2;
	s10 =	sadd.s32 s10, s5;
	s5 =	sadd.s32 $0x3000, s6  }
0xc: {  	s29 =	ssub.s32 s12, s28;
	s13 =	sadd.s32 s30, s2;
	s12 =	simm.s32 $0x1  }
0xd: {  	s10 =	sshrl.u32 s10, $0x3;
	s7 =	sadd.s32 s7, s9;
	s8 =	sadd.s32 s8, s9  }
0xe: {  	s11 =	sshrl.u32 s13, $0x3;
	s13 =	simm.s32 $0x2800;
	s10 =	sadd.s32 s10, s6  }
0xf: {  	s6 =	sor.u32 $0x1C01, s31;
	s9 =	sadd.s32 $0x2D800, s10;
	s10 =	smax.u32 s29, $0x1  }
.LBB2_1:
0x10: {  	[spmem:s11], [sflag:s6] =	dma.local [hbm:s5], $0x2800  }
0x11: {  	_ =	swait.ge [sflag:s12], $0x2800  }
0x12: {  	[sflag:s12] =	ssyncset.done $0x0  }
0x13: {  	[sflag:s12] =	ssyncadd.s32 $0xFFFFD800  }
0x14: {  	[tilespmem:s3], [sflag:$0x1] =	stream.linear.gather [hbm4b:s7+s3], $0x2780, $0x38;
	[tilespmem:$0x1D000] =	vst v63  }
0x15: {  	_ =	swait.ge [sflag:s12], $0x2780  }
0x16: {  	[sflag:s12] =	ssyncset.done $0x0  }
0x17: {  	[sflag:s12] =	ssyncadd.s32 $0xFFFFD880  }
0x18: {  	[tilespmem:s13], [sflag:$0x1] =	stream.linear.gather [hbm4b:s8+s3], $0x2780, $0x38;
	[tilespmem:$0x1D000] =	vst v63  }
0x19: {  	_ =	swait.ge [sflag:s12], $0x2780  }
0x1a: {  	[sflag:s12] =	ssyncset.done $0x0  }
0x1b: {  	[sflag:s12] =	ssyncadd.s32 $0xFFFFD880  }
0x1c: {  	s17 =	simm.s32 $0x0;
	[bflag:$0x0] =	sbarrier.arrive $0xFFFF  }
0x1d: {  	[tilespmem:s15], [sflag:$0x1] =	stream.indirect.gather [hbm4b:s4+s14], $0x80, s17, s14, $0xb8;
	[tilespmem:$0x1D000] =	vst v63  }
0x1e: {  	_ =	swait.ge [sflag:s12], $0x4000  }
0x1f: {  	[sflag:s12] =	ssyncset.done $0x0  }
0x20: {  	s31 =	simm.s32 $0x2800;
	[sflag:s12] =	ssyncadd.s32 $0xFFFFC000  }
0x21: {  	[spmem:s2] =	stream.indirect.scatter.add.f32 [tilespmem:s15], [sflag:$0x1], $0x80, s31, s14, $0xb8;
	[tilespmem:$0x1D000] =	vst v63  }
0x22: {  	_ =	swait.ge [sflag:s12], $0x4000  }
0x23: {  	s18 =	simm.s32 $0x400;
	s17 =	simm.s32 $0x200;
	[sflag:s12] =	ssyncset.done $0x0  }
.LBB2_2:
0x24: {  	s19 =	sshra.s32 s17, $0x2  }
0x25: {  	[sflag:s12] =	ssyncadd.s32 $0xFFFFC000;
	s17 =	smov.u32 s18;
	s20 =	sadd.s32 $0x200, s18  }
0x26: {  	[tilespmem:s15], [sflag:$0x1] =	stream.indirect.gather [hbm4b:s4+s14], $0x80, s19, s14, $0xb8;
	[tilespmem:$0x1D000] =	vst v63  }
0x27: {  	p0 =	sne.s32 s18, $0x9C00;
	_ =	swait.ge [sflag:s12], $0x4000  }
.Ltmp0:
0x28: {  	[sflag:s12] =	ssyncset.done $0x0;
	(pc) =	sbr.rel @p0 .LBB2_2-.Ltmp0, $4  }
0x29: {  	s18 =	sadd.s32 $0x2800, s19;
	[sflag:s12] =	ssyncadd.s32 $0xFFFFC000  }
0x2a: {  	[spmem:s2] =	stream.indirect.scatter.add.f32 [tilespmem:s15], [sflag:$0x1], $0x80, s18, s14, $0xb8;
	[tilespmem:$0x1D000] =	vst v63  }
0x2b: {  	_ =	swait.ge [sflag:s12], $0x4000  }
0x2c: {  	s18 =	smov.u32 s20;
	[sflag:s12] =	ssyncset.done $0x0  }
0x2d: {  	s17 =	sshra.s32 s17, $0x2;
	[sflag:s12] =	ssyncadd.s32 $0xFFFFC000  }
0x2e: {  	[tilespmem:s15], [sflag:$0x1] =	stream.indirect.gather [hbm4b:s4+s14], $0x80, s17, s14, $0xb8;
	[tilespmem:$0x1D000] =	vst v63  }
0x2f: {  	_ =	swait.ge [sflag:s12], $0x4000  }
0x30: {  	[sflag:s12] =	ssyncset.done $0x0  }
0x31: {  	s17 =	sadd.s32 $0x2800, s17;
	[sflag:s12] =	ssyncadd.s32 $0xFFFFC000  }
0x32: {  	[spmem:s2] =	stream.indirect.scatter.add.f32 [tilespmem:s15], [sflag:$0x1], $0x80, s17, s14, $0xb8;
	[tilespmem:$0x1D000] =	vst v63  }
0x33: {  	_ =	swait.ge [sflag:s12], $0x4000  }
0x34: {  	s16 =	sadd.s32 $0x1, s16;
	[sflag:s12] =	ssyncset.done $0x0  }
0x35: {  	p0 =	sne.s32 s16, s10;
	[sflag:s12] =	ssyncadd.s32 $0xFFFFC000  }
.Ltmp1:
0x36: {  	[bflag:$0x0] =	sbarrier.arrive $0xFFFF;
	(pc) =	sbr.rel @p0 .LBB2_1-.Ltmp1, $4  }
0x37: {  	[hbm:s9], [sflag:s6] =	dma.local [spmem:s11], $0x2800  }
0x38: {  	_ =	swait.ge [sflag:s12], $0x2800  }
0x39: {  	[sflag:s12] =	ssyncset.done $0x0  }
0x3a: {  	[sflag:s12] =	ssyncadd.s32 $0xFFFFD800  }
0x3b: {  	_ =	sfence.sel $0x180000  }
0x3c: {  	[bflag:$0x0] =	sbarrier.arrive $0xFFFF  }
0x3d: {  	p0 =	sne.s32 s1, $0x0;
	_ =	strace $0x9000004A  }
0x3e: {  	s0 =	sadd.s32 @!p0 $0x100000, s0;
	[bflag:$0x2] =	sbarrier.arrive $0xFFFF  }
0x3f: {  	[sflag:s0] =	ssyncadd.tile.s32 @!p0 $0x1;
	_ =	shalt  }
.Lfunc_end2:
_tile_overlayer_lowered:
.L_overlay_start_2:
0x40: {  	(tag) =	ssettag $0x2  }
0x41: {  	s0 =	rddreg [dreg:$0x0];
	s2 =	stileid.u32  }
0x42: {  	s1 =	rddreg [dreg:$0x1];
	p0 =	sne.s32 s2, $0x0  }
0x43: {  	s3 =	rddreg [dreg:$0x2];
	[bflag:$0x3] =	sbarrier.arrive $0xFFFF;
	s2 =	simm.s32 @!p0 $0x1C01  }
0x44: {  	[timem:s3], [sflag:s2] =	dma.local @!p0 [hbm:s0], s1  }
0x45: {  	s0 =	simm.s32 @!p0 $0x1  }
0x46: {  	_ =	swait.ge @!p0 [sflag:s0], s1  }
0x47: {  	s1 =	ssub.s32 @!p0 $0x0, s1;
	[sflag:s0] =	ssyncset.done @!p0 $0x0  }
0x48: {  	[sflag:s0] =	ssyncadd.s32 @!p0 s1  }
0x49: {  	[bflag:$0x3] =	sbarrier.arrive $0xFFFF  }
0x4a: {  	_ =	shalt  }

// kernel: kernel.16.cloned.1.call-start
scs
__scs_entry_jumppad:
0x0: {  	(pc) =	sbr.rel $0x88, $3  }
0x1: {  	(tag) =	ssettag $0x0;
	lr =	simm.s32 $0x1  }
0x2: {  	[smem:$0x3F97] =	sst lr;
	_ =	strace $0xD0000000  }
0x3: {  	_ = 	snop  }
0x4: {  	_ = 	snop  }
0x5: {  	_ = 	snop  }
0x6: {  	_ = 	snop  }
0x7: {  	_ = 	snop  }
__scs_overlays_trampoline_lowered:
0x8: {  	[smem:$0x3FA6] =	sst s0  }
0x9: {  	[smem:$0x3FA7] =	sst s1  }
0xa: {  	[smem:$0x3FA8] =	sst s2  }
0xb: {  	[smem:$0x3FA9] =	sst s3  }
0xc: {  	[smem:$0x3FAA] =	sst s4  }
0xd: {  	[smem:$0x3FAB] =	sst s5  }
0xe: {  	[smem:$0x3FAC] =	sst s6  }
0xf: {  	[smem:$0x3FAD] =	sst s7  }
0x10: {  	[smem:$0x3FAE] =	sst s8  }
0x11: {  	[smem:$0x3FAF] =	sst s9;
	s0 =	simm.s32 @!p0 $0x0  }
0x12: {  	s1 =	sld [smem:$0x3F95];
	s0 =	simm.s32 @p0 $0x1  }
0x13: {  	[smem:$0x3FB0] =	sst s0;
	s0 =	simm.s32 @!p1 $0x0  }
0x14: {  	s2 =	sld [smem:$0x3F94];
	s0 =	simm.s32 @p1 $0x1  }
0x15: {  	[smem:$0x3FB1] =	sst s0;
	s0 =	simm.s32 @!p2 $0x0  }
0x16: {  	s3 =	sld [smem:$0x3FDB];
	s0 =	simm.s32 @p2 $0x1  }
0x17: {  	s4 =	simm.s32 $0x1BF5;
	[smem:$0x3FB3] =	sst s0  }
0x18: {  	s0 =	sld [smem:$0x3F96];
	_ =	swait.ge [sflag:s4], $0x0  }
0x19: {  	s7 =	sld [smem:$0x3F97]  }
0x1a: {  	s8 =	sadd.s32 $0xFFFFE003, lr  }
0x1b: {  	s9 =	sadd.s32 $0xFFFFFEF7, lr;
	s5 =	simm.s32 $0xFFFFFFFF;
	p2 =	slt.u32 s8, $0xFFFFF086  }
0x1c: {  	p1 =	slt.u32 s9, $0xF7A;
	s5 =	simm.s32 @!p2 $0x0  }
0x1d: {  	s5 =	simm.s32 @p1 $0x1;
	p0 =	seq.s32 s7, s2  }
0x1e: {  	s7 =	smul.u32 @!p0 $0xF7A, s2;
	p2 =	seq.s32 @!p0 s5, $0x0  }
0x1f: {  	s9 =	smul.u32 $0xF7A, s1;
	s8 =	simm.s32 @!p0 $0x1BF5;
	p2 =	por !p2, p0  }
0x20: {  	[sflag:s8] =	ssyncset.s32 @!p0 $0xFFFFF086;
	s6 =	sadd.s32 @!p0 s3, s7;
	s7 =	simm.s32 @!p0 $0x108  }
0x21: {  	s3 =	sadd.s32 s3, s9;
	s6 =	sadd.s32 @!p0 $0x88, s6;
	s7 =	simm.s32 @p2 $0x1082  }
0x22: {  	[simem:s7], [sflag:s8] =	dma.local @!p0 [hbm:s6], $0xF7A  }
0x23: {  	s9 =	sor.u32 $0xD0000000, s2;
	s6 =	simm.s32 $0x108;
	_ =	swait.ge @!p0 [sflag:s8], $0x0  }
0x24: {  	s3 =	sadd.s32 $0x88, s3;
	s6 =	simm.s32 @!p1 $0x1082;
	[sflag:s4] =	ssyncset.s32 $0xFFFFF086  }
0x25: {  	[simem:s6], [sflag:s4] =	dma.local [hbm:s3], $0xF7A  }
0x26: {  	[smem:$0x3F97] =	sst s1;
	(tag) =	ssettag s2;
	_ =	strace s9  }
0x27: {  	s1 =	sld [smem:$0x3FA7]  }
0x28: {  	s2 =	sld [smem:$0x3FA8]  }
0x29: {  	s4 =	sld [smem:$0x3FAA]  }
0x2a: {  	p0 =	seq.s32 s5, $0x0;
	s5 =	sld [smem:$0x3FAB]  }
0x2b: {  	s6 =	sld [smem:$0x3FAC]  }
0x2c: {  	s7 =	sld [smem:$0x3FAD]  }
0x2d: {  	s3 =	simm.s32 $0x108;
	s8 =	sld [smem:$0x3FAE]  }
0x2e: {  	s3 =	simm.s32 @!p0 $0x1082;
	s9 =	sld [smem:$0x3FAF]  }
0x2f: {  	lr =	sadd.s32 s0, s3;
	s0 =	sld [smem:$0x3FA6]  }
0x30: {  	s3 =	sld [smem:$0x3FA9]  }
0x31: {  	[smem:$0x3FB2] =	sst s10  }
0x32: {  	s10 =	sld [smem:$0x3FB0];
	_ =	sdelay $0x3  }
0x33: {  	p0 =	seq.s32 s10, $0x1;
	s10 =	sld [smem:$0x3FB2];
	_ =	sdelay $0x3  }
0x34: {  	[smem:$0x3FB2] =	sst s10  }
0x35: {  	s10 =	sld [smem:$0x3FB1];
	_ =	sdelay $0x3  }
0x36: {  	p1 =	seq.s32 s10, $0x1;
	s10 =	sld [smem:$0x3FB2];
	_ =	sdelay $0x3  }
0x37: {  	[smem:$0x3FB2] =	sst s10  }
0x38: {  	s10 =	sld [smem:$0x3FB3]  }
0x39: {  	_ = 	snop;
	(pc) =	sbr.ind lr, $3  }
0x3a: {  	_ = 	snop  }
0x3b: {  	_ = 	snop  }
0x3c: {  	p2 =	seq.s32 s10, $0x1;
	s10 =	sld [smem:$0x3FB2]  }
0x3d: {  	_ =	shalt  }
0x3e: {  	_ =	shalt  }
0x3f: {  	_ =	shalt  }
0x40: {  	_ =	shalt  }
0x41: {  	_ =	shalt  }
0x42: {  	_ =	shalt  }
0x43: {  	_ =	shalt  }
0x44: {  	_ =	shalt  }
0x45: {  	_ =	shalt  }
0x46: {  	_ =	shalt  }
0x47: {  	_ =	shalt  }
0x48: {  	_ =	shalt  }
0x49: {  	_ =	shalt  }
0x4a: {  	_ =	shalt  }
0x4b: {  	_ =	shalt  }
0x4c: {  	_ =	shalt  }
0x4d: {  	_ =	shalt  }
0x4e: {  	_ =	shalt  }
0x4f: {  	_ =	shalt  }
0x50: {  	_ =	shalt  }
0x51: {  	_ =	shalt  }
0x52: {  	_ =	shalt  }
0x53: {  	_ =	shalt  }
0x54: {  	_ =	shalt  }
0x55: {  	_ =	shalt  }
0x56: {  	_ =	shalt  }
0x57: {  	_ =	shalt  }
0x58: {  	_ =	shalt  }
0x59: {  	_ =	shalt  }
0x5a: {  	_ =	shalt  }
0x5b: {  	_ =	shalt  }
0x5c: {  	_ =	shalt  }
0x5d: {  	_ =	shalt  }
0x5e: {  	_ =	shalt  }
0x5f: {  	_ =	shalt  }
0x60: {  	_ =	shalt  }
0x61: {  	_ =	shalt  }
0x62: {  	_ =	shalt  }
0x63: {  	_ =	shalt  }
0x64: {  	_ =	shalt  }
0x65: {  	_ =	shalt  }
0x66: {  	_ =	shalt  }
0x67: {  	_ =	shalt  }
0x68: {  	_ =	shalt  }
0x69: {  	_ =	shalt  }
0x6a: {  	_ =	shalt  }
0x6b: {  	_ =	shalt  }
0x6c: {  	_ =	shalt  }
0x6d: {  	_ =	shalt  }
0x6e: {  	_ =	shalt  }
0x6f: {  	_ =	shalt  }
0x70: {  	_ =	shalt  }
0x71: {  	_ =	shalt  }
0x72: {  	_ =	shalt  }
0x73: {  	_ =	shalt  }
0x74: {  	_ =	shalt  }
0x75: {  	_ =	shalt  }
0x76: {  	_ =	shalt  }
0x77: {  	_ =	shalt  }
0x78: {  	_ =	shalt  }
0x79: {  	_ =	shalt  }
0x7a: {  	_ =	shalt  }
0x7b: {  	_ =	shalt  }
0x7c: {  	_ =	shalt  }
0x7d: {  	_ =	shalt  }
0x7e: {  	_ =	shalt  }
0x7f: {  	_ =	shalt  }
0x80: {  	_ =	shalt  }
0x81: {  	_ =	shalt  }
0x82: {  	_ =	shalt  }
0x83: {  	_ =	shalt  }
0x84: {  	_ =	shalt  }
0x85: {  	_ =	shalt  }
0x86: {  	_ =	shalt  }
0x87: {  	_ =	shalt  }
.Lfunc_end0:
.L_simem_size_0:
called_computation.2_lowered:
.L_overlay_start_0:
0x88: {  	s2 =	sld [smem:$0x3FD9]  }
0x89: {  	s3 =	sld [smem:$0x3FFE];
	_ =	sdelay $0x1  }
0x8a: {  	s1 =	srdreg.scid  }
0x8b: {  	s0 =	sand.u32 $0x1, s1  }
0x8c: {  	s14 =	sshll.u32 s0, $0xA;
	s2 =	sadd.s32 s3, s2  }
0x8d: {  	s2 =	sadd.s32 s2, s14  }
0x8e: {  	[smem:$0x3FBE] =	sst s2  }
0x8f: {  	_ = 	snop  }
0x90: {  	s2 =	sld [smem:$0x3FD0];
	_ =	sdelay $0x2  }
0x91: {  	s15 =	simm.s32 $0xA;
	s4 =	simm.s32 $0x10  }
0x92: {  	[smem:s4], [sflag:s15] =	dma.local [hbm:s2], $0x1  }
0x93: {  	_ =	swait.eq [sflag:s15], $0x1  }
0x94: {  	[sflag:s15] =	ssyncset.done $0x0  }
0x95: {  	s16 =	sld [smem:$0x10];
	[sflag:s15] =	ssyncadd.s32 $0xFFFFFFFF  }
0x96: {  	s17 =	sld [smem:$0x11];
	(tm) =	ssettm $0x1  }
0x97: {  	s18 =	sld [smem:$0x3FFB];
	_ =	sdelay $0x3  }
0x98: {  	_ =	strace s18  }
0x99: {  	s4 =	sld [smem:$0x3FFC];
	_ =	sdelay $0x3  }
0x9a: {  	_ =	strace s4  }
0x9b: {  	s4 =	sld [smem:$0x3FFD];
	_ =	sdelay $0x3  }
0x9c: {  	_ =	strace s4  }
0x9d: {  	_ =	strace $0x8FFFFFFF  }
0x9e: {  	s19 =	sld [smem:$0x3FDB];
	_ =	sdelay $0x1  }
0x9f: {  	s5 =	simm.s32 $_scs_section_size  }
0xa0: {  	s6 =	simm.s32 $_size__tile_overlayer_lowered;
	s7 =	simm.s32 $_tile_overlayer_lowered  }
0xa1: {  	s22 =	simm.s32 $0x1BFF;
	s21 =	sshll.u32 s7, $0x1;
	s4 =	sadd.s32 s5, s19  }
0xa2: {  	s8 =	simm.s32 $0x0;
	s20 =	sshll.u32 s6, $0x1;
	s6 =	sadd.s32 s21, s4  }
0xa3: {  	[timem:s8], [sflag:s22] =	dma.local [hbm:s6], s20  }
0xa4: {  	_ =	swait.ge [sflag:s22], s20  }
0xa5: {  	s5 =	ssub.s32 $0x0, s20;
	[sflag:s22] =	ssyncset.done $0x0  }
0xa6: {  	[sflag:s22] =	ssyncadd.s32 s5;
	_ =	sdelay $0x1  }
0xa7: {  	s23 =	simm.s32 $0x1B8B  }
0xa8: {  	_ =	swait.ge [sflag:s23], $0x1  }
0xa9: {  	[sflag:s23] =	ssyncset.done $0x0  }
0xaa: {  	s25 =	simm.s32 $0x1B8E;
	s24 =	sld [smem:$0x3FFE];
	[sflag:s23] =	ssyncadd.s32 $0xFFFFFFFF  }
0xab: {  	s26 =	simm.s32 $execute0_lowered;
	[smem:$0x3FD2] =	sst s25  }
0xac: {  	s6 =	sshll.u32 s26, $0x1;
	_ =	strace $0x8000004C;
	[dreg:$0x1] =	wrdreg $0xFFFFFFFF  }
0xad: {  	s28 =	simm.s32 $_size_execute0_lowered;
	s4 =	sadd.s32 s4, s6;
	[dreg:$0x0] =	wrdreg $0x0  }
0xae: {  	s6 =	sshll.u32 s28, $0x1;
	[dreg:$0x2] =	wrdreg s4  }
0xaf: {  	[dreg:$0x3] =	wrdreg s6  }
0xb0: {  	[dreg:$0x4] =	wrdreg $0xC0  }
0xb1: {  	_ =	task [dreg:s8], $0x5FFFF  }
0xb2: {  	[dreg:$0x1] =	wrdreg $0xFFFFFFFF  }
0xb3: {  	[dreg:$0x0] =	wrdreg $0x60  }
0xb4: {  	[dreg:$0x2] =	wrdreg s24  }
0xb5: {  	[dreg:$0x3] =	wrdreg s16  }
0xb6: {  	[dreg:$0x4] =	wrdreg s17  }
0xb7: {  	[dreg:$0x5] =	wrdreg $0x90000  }
0xb8: {  	[dreg:$0x6] =	wrdreg $0x9  }
0xb9: {  	_ =	task.clear_ibuf [dreg:s8], $0x7FFFF;
	_ =	strace $0x9000004C  }
0xba: {  	s29 =	simm.s32 $0x9;
	_ =	strace $0x8000004E  }
0xbb: {  	_ =	swait.ge [sflag:s29], $0x1  }
0xbc: {  	[sflag:s29] =	ssyncadd.s32 $0xFFFFFFFF  }
0xbd: {  	_ =	strace $0x9000004E  }
0xbe: {  	_ =	sfence  }
0xbf: {  	s30 =	sld [smem:$0x0];
	_ =	sdelay $0x2  }
0xc0: {  	s31 =	sshll.u32 s1, $0xD;
	s1 =	sshrl.u32 s1, $0x2  }
0xc1: {  	s3 =	sand.u32 $0x4000, s31;
	s1 =	sadd.s32 s1, s30  }
0xc2: {  	s0 =	sor.u32 s3, s0;
	s1 =	sshll.u32 s1, $0x11  }
0xc3: {  	s0 =	sor.u32 s1, s0  }
0xc4: {  	s0 =	sadd.s32 $0x8F2B, s0  }
0xc5: {  	[sflag:s0] =	ssyncadd.remote.s32 $0x1  }
0xc6: {  	_ =	sfence.sel $0xFFFF  }
0xc7: {  	[dreg:$0x0] =	wrdreg $0xFFFFFFFF;
	(pc) =	sbr.abs _section_cstart, $3  }
0xc8: {  	[dreg:$0x1] =	wrdreg $0xFFFFFFFF  }
0xc9: {  	_ =	task.clear_ibuf [dreg:s8], $0x2FFFF;
	_ =	strace $0x9FFFFFFF  }
0xca: {  	(tm) =	ssettm $0x7FFFFFFF  }
0xcb: {  	_ =	shalt  }
tec
execute0_lowered:
.L_overlay_start_1:
0x0: {  	(tag) =	ssettag $0x1  }
0x1: {  	s6 =	rddreg [dreg:$0x0]  }
0x2: {  	s7 =	rddreg [dreg:$0x1]  }
0x3: {  	s8 =	rddreg [dreg:$0x2];
	s0 =	srdreg.scid  }
0x4: {  	s2 =	rddreg [dreg:$0x3];
	s1 =	stileid.u32  }
0x5: {  	s3 =	simm.s32 $0x0;
	s14 =	simm.s32 $0x80;
	s15 =	simm.s32 $0x5000  }
0x6: {  	s16 =	simm.s32 $0x0;
	s9 =	sand.u32 $0x1, s0;
	s0 =	rddreg [dreg:$0x4]  }
0x7: {  	s10 =	smul.u32 $0x14000, s1;
	[smem:$0x7FF] =	sst s3;
	s4 =	sadd.s32 $0x5800, s6  }
0x8: {  	s11 =	sshll.u32 s1, $0x1;
	s13 =	smul.u32 $0x50000, s1;
	s31 =	sshll.u32 s1, $0x6  }
0x9: {  	s5 =	smul.u32 $0x140000, s9;
	s12 =	ssub.s32 $0x2, s9;
	s9 =	sor.u32 s9, s11  }
0xa: {  	_ =	strace $0x8000004D;
	s28 =	sshrl.u32 s12, $0x1;
	s9 =	smul.u32 $0x500, s9  }
0xb: {  	s30 =	sshrl.u32 s13, $0x2;
	s10 =	sadd.s32 s10, s5;
	s5 =	sadd.s32 $0x3000, s6  }
0xc: {  	s29 =	ssub.s32 s12, s28;
	s13 =	sadd.s32 s30, s2;
	s12 =	simm.s32 $0x1  }
0xd: {  	s10 =	sshrl.u32 s10, $0x3;
	s7 =	sadd.s32 s7, s9;
	s8 =	sadd.s32 s8, s9  }
0xe: {  	s11 =	sshrl.u32 s13, $0x3;
	s13 =	simm.s32 $0x2800;
	s10 =	sadd.s32 s10, s6  }
0xf: {  	s6 =	sor.u32 $0x1C01, s31;
	s9 =	sadd.s32 $0x2D800, s10;
	s10 =	smax.u32 s29, $0x1  }
.LBB2_1:
0x10: {  	[spmem:s11], [sflag:s6] =	dma.local [hbm:s5], $0x2800  }
0x11: {  	_ =	swait.ge [sflag:s12], $0x2800  }
0x12: {  	[sflag:s12] =	ssyncset.done $0x0  }
0x13: {  	[sflag:s12] =	ssyncadd.s32 $0xFFFFD800  }
0x14: {  	[tilespmem:s3], [sflag:$0x1] =	stream.linear.gather [hbm4b:s7+s3], $0x2780, $0x38;
	[tilespmem:$0x1D000] =	vst v63  }
0x15: {  	_ =	swait.ge [sflag:s12], $0x2780  }
0x16: {  	[sflag:s12] =	ssyncset.done $0x0  }
0x17: {  	[sflag:s12] =	ssyncadd.s32 $0xFFFFD880  }
0x18: {  	[tilespmem:s13], [sflag:$0x1] =	stream.linear.gather [hbm4b:s8+s3], $0x2780, $0x38;
	[tilespmem:$0x1D000] =	vst v63  }
0x19: {  	_ =	swait.ge [sflag:s12], $0x2780  }
0x1a: {  	[sflag:s12] =	ssyncset.done $0x0  }
0x1b: {  	[sflag:s12] =	ssyncadd.s32 $0xFFFFD880  }
0x1c: {  	s17 =	simm.s32 $0x0;
	[bflag:$0x0] =	sbarrier.arrive $0xFFFF  }
0x1d: {  	[tilespmem:s15], [sflag:$0x1] =	stream.indirect.gather [hbm4b:s4+s14], $0x80, s17, s14, $0xb8;
	[tilespmem:$0x1D000] =	vst v63  }
0x1e: {  	_ =	swait.ge [sflag:s12], $0x4000  }
0x1f: {  	[sflag:s12] =	ssyncset.done $0x0  }
0x20: {  	s31 =	simm.s32 $0x2800;
	[sflag:s12] =	ssyncadd.s32 $0xFFFFC000  }
0x21: {  	[spmem:s2] =	stream.indirect.scatter.add.f32 [tilespmem:s15], [sflag:$0x1], $0x80, s31, s14, $0xb8;
	[tilespmem:$0x1D000] =	vst v63  }
0x22: {  	_ =	swait.ge [sflag:s12], $0x4000  }
0x23: {  	s18 =	simm.s32 $0x400;
	s17 =	simm.s32 $0x200;
	[sflag:s12] =	ssyncset.done $0x0  }
.LBB2_2:
0x24: {  	s19 =	sshra.s32 s17, $0x2  }
0x25: {  	[sflag:s12] =	ssyncadd.s32 $0xFFFFC000;
	s17 =	smov.u32 s18;
	s20 =	sadd.s32 $0x200, s18  }
0x26: {  	[tilespmem:s15], [sflag:$0x1] =	stream.indirect.gather [hbm4b:s4+s14], $0x80, s19, s14, $0xb8;
	[tilespmem:$0x1D000] =	vst v63  }
0x27: {  	p0 =	sne.s32 s18, $0x9C00;
	_ =	swait.ge [sflag:s12], $0x4000  }
.Ltmp0:
0x28: {  	[sflag:s12] =	ssyncset.done $0x0;
	(pc) =	sbr.rel @p0 .LBB2_2-.Ltmp0, $4  }
0x29: {  	s18 =	sadd.s32 $0x2800, s19;
	[sflag:s12] =	ssyncadd.s32 $0xFFFFC000  }
0x2a: {  	[spmem:s2] =	stream.indirect.scatter.add.f32 [tilespmem:s15], [sflag:$0x1], $0x80, s18, s14, $0xb8;
	[tilespmem:$0x1D000] =	vst v63  }
0x2b: {  	_ =	swait.ge [sflag:s12], $0x4000  }
0x2c: {  	s18 =	smov.u32 s20;
	[sflag:s12] =	ssyncset.done $0x0  }
0x2d: {  	s17 =	sshra.s32 s17, $0x2;
	[sflag:s12] =	ssyncadd.s32 $0xFFFFC000  }
0x2e: {  	[tilespmem:s15], [sflag:$0x1] =	stream.indirect.gather [hbm4b:s4+s14], $0x80, s17, s14, $0xb8;
	[tilespmem:$0x1D000] =	vst v63  }
0x2f: {  	_ =	swait.ge [sflag:s12], $0x4000  }
0x30: {  	[sflag:s12] =	ssyncset.done $0x0  }
0x31: {  	s17 =	sadd.s32 $0x2800, s17;
	[sflag:s12] =	ssyncadd.s32 $0xFFFFC000  }
0x32: {  	[spmem:s2] =	stream.indirect.scatter.add.f32 [tilespmem:s15], [sflag:$0x1], $0x80, s17, s14, $0xb8;
	[tilespmem:$0x1D000] =	vst v63  }
0x33: {  	_ =	swait.ge [sflag:s12], $0x4000  }
0x34: {  	s16 =	sadd.s32 $0x1, s16;
	[sflag:s12] =	ssyncset.done $0x0  }
0x35: {  	p0 =	sne.s32 s16, s10;
	[sflag:s12] =	ssyncadd.s32 $0xFFFFC000  }
.Ltmp1:
0x36: {  	[bflag:$0x0] =	sbarrier.arrive $0xFFFF;
	(pc) =	sbr.rel @p0 .LBB2_1-.Ltmp1, $4  }
0x37: {  	[hbm:s9], [sflag:s6] =	dma.local [spmem:s11], $0x2800  }
0x38: {  	_ =	swait.ge [sflag:s12], $0x2800  }
0x39: {  	[sflag:s12] =	ssyncset.done $0x0  }
0x3a: {  	[sflag:s12] =	ssyncadd.s32 $0xFFFFD800  }
0x3b: {  	_ =	sfence.sel $0x180000  }
0x3c: {  	[bflag:$0x0] =	sbarrier.arrive $0xFFFF  }
0x3d: {  	p0 =	sne.s32 s1, $0x0;
	_ =	strace $0x9000004D  }
0x3e: {  	s0 =	sadd.s32 @!p0 $0x100000, s0;
	[bflag:$0x2] =	sbarrier.arrive $0xFFFF  }
0x3f: {  	[sflag:s0] =	ssyncadd.tile.s32 @!p0 $0x1;
	_ =	shalt  }
.Lfunc_end2:
_tile_overlayer_lowered:
.L_overlay_start_2:
0x40: {  	(tag) =	ssettag $0x2  }
0x41: {  	s0 =	rddreg [dreg:$0x0];
	s2 =	stileid.u32  }
0x42: {  	s1 =	rddreg [dreg:$0x1];
	p0 =	sne.s32 s2, $0x0  }
0x43: {  	s3 =	rddreg [dreg:$0x2];
	[bflag:$0x3] =	sbarrier.arrive $0xFFFF;
	s2 =	simm.s32 @!p0 $0x1C01  }
0x44: {  	[timem:s3], [sflag:s2] =	dma.local @!p0 [hbm:s0], s1  }
0x45: {  	s0 =	simm.s32 @!p0 $0x1  }
0x46: {  	_ =	swait.ge @!p0 [sflag:s0], s1  }
0x47: {  	s1 =	ssub.s32 @!p0 $0x0, s1;
	[sflag:s0] =	ssyncset.done @!p0 $0x0  }
0x48: {  	[sflag:s0] =	ssyncadd.s32 @!p0 s1  }
0x49: {  	[bflag:$0x3] =	sbarrier.arrive $0xFFFF  }
0x4a: {  	_ =	shalt  }

// kernel: kernel.19.cloned.1.call-start
scs
__scs_entry_jumppad:
0x0: {  	(pc) =	sbr.rel $0x88, $3  }
0x1: {  	(tag) =	ssettag $0x0;
	lr =	simm.s32 $0x1  }
0x2: {  	[smem:$0x3F97] =	sst lr;
	_ =	strace $0xD0000000  }
0x3: {  	_ = 	snop  }
0x4: {  	_ = 	snop  }
0x5: {  	_ = 	snop  }
0x6: {  	_ = 	snop  }
0x7: {  	_ = 	snop  }
__scs_overlays_trampoline_lowered:
0x8: {  	[smem:$0x3FA6] =	sst s0  }
0x9: {  	[smem:$0x3FA7] =	sst s1  }
0xa: {  	[smem:$0x3FA8] =	sst s2  }
0xb: {  	[smem:$0x3FA9] =	sst s3  }
0xc: {  	[smem:$0x3FAA] =	sst s4  }
0xd: {  	[smem:$0x3FAB] =	sst s5  }
0xe: {  	[smem:$0x3FAC] =	sst s6  }
0xf: {  	[smem:$0x3FAD] =	sst s7  }
0x10: {  	[smem:$0x3FAE] =	sst s8  }
0x11: {  	[smem:$0x3FAF] =	sst s9;
	s0 =	simm.s32 @!p0 $0x0  }
0x12: {  	s1 =	sld [smem:$0x3F95];
	s0 =	simm.s32 @p0 $0x1  }
0x13: {  	[smem:$0x3FB0] =	sst s0;
	s0 =	simm.s32 @!p1 $0x0  }
0x14: {  	s2 =	sld [smem:$0x3F94];
	s0 =	simm.s32 @p1 $0x1  }
0x15: {  	[smem:$0x3FB1] =	sst s0;
	s0 =	simm.s32 @!p2 $0x0  }
0x16: {  	s3 =	sld [smem:$0x3FDB];
	s0 =	simm.s32 @p2 $0x1  }
0x17: {  	s4 =	simm.s32 $0x1BF5;
	[smem:$0x3FB3] =	sst s0  }
0x18: {  	s0 =	sld [smem:$0x3F96];
	_ =	swait.ge [sflag:s4], $0x0  }
0x19: {  	s7 =	sld [smem:$0x3F97]  }
0x1a: {  	s8 =	sadd.s32 $0xFFFFE003, lr  }
0x1b: {  	s9 =	sadd.s32 $0xFFFFFEF7, lr;
	s5 =	simm.s32 $0xFFFFFFFF;
	p2 =	slt.u32 s8, $0xFFFFF086  }
0x1c: {  	p1 =	slt.u32 s9, $0xF7A;
	s5 =	simm.s32 @!p2 $0x0  }
0x1d: {  	s5 =	simm.s32 @p1 $0x1;
	p0 =	seq.s32 s7, s2  }
0x1e: {  	s7 =	smul.u32 @!p0 $0xF7A, s2;
	p2 =	seq.s32 @!p0 s5, $0x0  }
0x1f: {  	s9 =	smul.u32 $0xF7A, s1;
	s8 =	simm.s32 @!p0 $0x1BF5;
	p2 =	por !p2, p0  }
0x20: {  	[sflag:s8] =	ssyncset.s32 @!p0 $0xFFFFF086;
	s6 =	sadd.s32 @!p0 s3, s7;
	s7 =	simm.s32 @!p0 $0x108  }
0x21: {  	s3 =	sadd.s32 s3, s9;
	s6 =	sadd.s32 @!p0 $0x88, s6;
	s7 =	simm.s32 @p2 $0x1082  }
0x22: {  	[simem:s7], [sflag:s8] =	dma.local @!p0 [hbm:s6], $0xF7A  }
0x23: {  	s9 =	sor.u32 $0xD0000000, s2;
	s6 =	simm.s32 $0x108;
	_ =	swait.ge @!p0 [sflag:s8], $0x0  }
0x24: {  	s3 =	sadd.s32 $0x88, s3;
	s6 =	simm.s32 @!p1 $0x1082;
	[sflag:s4] =	ssyncset.s32 $0xFFFFF086  }
0x25: {  	[simem:s6], [sflag:s4] =	dma.local [hbm:s3], $0xF7A  }
0x26: {  	[smem:$0x3F97] =	sst s1;
	(tag) =	ssettag s2;
	_ =	strace s9  }
0x27: {  	s1 =	sld [smem:$0x3FA7]  }
0x28: {  	s2 =	sld [smem:$0x3FA8]  }
0x29: {  	s4 =	sld [smem:$0x3FAA]  }
0x2a: {  	p0 =	seq.s32 s5, $0x0;
	s5 =	sld [smem:$0x3FAB]  }
0x2b: {  	s6 =	sld [smem:$0x3FAC]  }
0x2c: {  	s7 =	sld [smem:$0x3FAD]  }
0x2d: {  	s3 =	simm.s32 $0x108;
	s8 =	sld [smem:$0x3FAE]  }
0x2e: {  	s3 =	simm.s32 @!p0 $0x1082;
	s9 =	sld [smem:$0x3FAF]  }
0x2f: {  	lr =	sadd.s32 s0, s3;
	s0 =	sld [smem:$0x3FA6]  }
0x30: {  	s3 =	sld [smem:$0x3FA9]  }
0x31: {  	[smem:$0x3FB2] =	sst s10  }
0x32: {  	s10 =	sld [smem:$0x3FB0];
	_ =	sdelay $0x3  }
0x33: {  	p0 =	seq.s32 s10, $0x1;
	s10 =	sld [smem:$0x3FB2];
	_ =	sdelay $0x3  }
0x34: {  	[smem:$0x3FB2] =	sst s10  }
0x35: {  	s10 =	sld [smem:$0x3FB1];
	_ =	sdelay $0x3  }
0x36: {  	p1 =	seq.s32 s10, $0x1;
	s10 =	sld [smem:$0x3FB2];
	_ =	sdelay $0x3  }
0x37: {  	[smem:$0x3FB2] =	sst s10  }
0x38: {  	s10 =	sld [smem:$0x3FB3]  }
0x39: {  	_ = 	snop;
	(pc) =	sbr.ind lr, $3  }
0x3a: {  	_ = 	snop  }
0x3b: {  	_ = 	snop  }
0x3c: {  	p2 =	seq.s32 s10, $0x1;
	s10 =	sld [smem:$0x3FB2]  }
0x3d: {  	_ =	shalt  }
0x3e: {  	_ =	shalt  }
0x3f: {  	_ =	shalt  }
0x40: {  	_ =	shalt  }
0x41: {  	_ =	shalt  }
0x42: {  	_ =	shalt  }
0x43: {  	_ =	shalt  }
0x44: {  	_ =	shalt  }
0x45: {  	_ =	shalt  }
0x46: {  	_ =	shalt  }
0x47: {  	_ =	shalt  }
0x48: {  	_ =	shalt  }
0x49: {  	_ =	shalt  }
0x4a: {  	_ =	shalt  }
0x4b: {  	_ =	shalt  }
0x4c: {  	_ =	shalt  }
0x4d: {  	_ =	shalt  }
0x4e: {  	_ =	shalt  }
0x4f: {  	_ =	shalt  }
0x50: {  	_ =	shalt  }
0x51: {  	_ =	shalt  }
0x52: {  	_ =	shalt  }
0x53: {  	_ =	shalt  }
0x54: {  	_ =	shalt  }
0x55: {  	_ =	shalt  }
0x56: {  	_ =	shalt  }
0x57: {  	_ =	shalt  }
0x58: {  	_ =	shalt  }
0x59: {  	_ =	shalt  }
0x5a: {  	_ =	shalt  }
0x5b: {  	_ =	shalt  }
0x5c: {  	_ =	shalt  }
0x5d: {  	_ =	shalt  }
0x5e: {  	_ =	shalt  }
0x5f: {  	_ =	shalt  }
0x60: {  	_ =	shalt  }
0x61: {  	_ =	shalt  }
0x62: {  	_ =	shalt  }
0x63: {  	_ =	shalt  }
0x64: {  	_ =	shalt  }
0x65: {  	_ =	shalt  }
0x66: {  	_ =	shalt  }
0x67: {  	_ =	shalt  }
0x68: {  	_ =	shalt  }
0x69: {  	_ =	shalt  }
0x6a: {  	_ =	shalt  }
0x6b: {  	_ =	shalt  }
0x6c: {  	_ =	shalt  }
0x6d: {  	_ =	shalt  }
0x6e: {  	_ =	shalt  }
0x6f: {  	_ =	shalt  }
0x70: {  	_ =	shalt  }
0x71: {  	_ =	shalt  }
0x72: {  	_ =	shalt  }
0x73: {  	_ =	shalt  }
0x74: {  	_ =	shalt  }
0x75: {  	_ =	shalt  }
0x76: {  	_ =	shalt  }
0x77: {  	_ =	shalt  }
0x78: {  	_ =	shalt  }
0x79: {  	_ =	shalt  }
0x7a: {  	_ =	shalt  }
0x7b: {  	_ =	shalt  }
0x7c: {  	_ =	shalt  }
0x7d: {  	_ =	shalt  }
0x7e: {  	_ =	shalt  }
0x7f: {  	_ =	shalt  }
0x80: {  	_ =	shalt  }
0x81: {  	_ =	shalt  }
0x82: {  	_ =	shalt  }
0x83: {  	_ =	shalt  }
0x84: {  	_ =	shalt  }
0x85: {  	_ =	shalt  }
0x86: {  	_ =	shalt  }
0x87: {  	_ =	shalt  }
.Lfunc_end0:
.L_simem_size_0:
called_computation.3_lowered:
.L_overlay_start_0:
0x88: {  	s2 =	sld [smem:$0x3FD9]  }
0x89: {  	s3 =	sld [smem:$0x3FFE];
	_ =	sdelay $0x1  }
0x8a: {  	s1 =	srdreg.scid  }
0x8b: {  	s0 =	sand.u32 $0x1, s1  }
0x8c: {  	s14 =	sshll.u32 s0, $0xA;
	s2 =	sadd.s32 s3, s2  }
0x8d: {  	s2 =	sadd.s32 s2, s14  }
0x8e: {  	[smem:$0x3FBE] =	sst s2  }
0x8f: {  	_ = 	snop  }
0x90: {  	s2 =	sld [smem:$0x3FD0];
	_ =	sdelay $0x2  }
0x91: {  	s15 =	simm.s32 $0xA;
	s4 =	simm.s32 $0x10  }
0x92: {  	[smem:s4], [sflag:s15] =	dma.local [hbm:s2], $0x1  }
0x93: {  	_ =	swait.eq [sflag:s15], $0x1  }
0x94: {  	[sflag:s15] =	ssyncset.done $0x0  }
0x95: {  	s16 =	sld [smem:$0x10];
	[sflag:s15] =	ssyncadd.s32 $0xFFFFFFFF  }
0x96: {  	s17 =	sld [smem:$0x11];
	(tm) =	ssettm $0x1  }
0x97: {  	s18 =	sld [smem:$0x3FFB];
	_ =	sdelay $0x3  }
0x98: {  	_ =	strace s18  }
0x99: {  	s4 =	sld [smem:$0x3FFC];
	_ =	sdelay $0x3  }
0x9a: {  	_ =	strace s4  }
0x9b: {  	s4 =	sld [smem:$0x3FFD];
	_ =	sdelay $0x3  }
0x9c: {  	_ =	strace s4  }
0x9d: {  	_ =	strace $0x8FFFFFFF  }
0x9e: {  	s19 =	sld [smem:$0x3FDB];
	_ =	sdelay $0x1  }
0x9f: {  	s5 =	simm.s32 $_scs_section_size  }
0xa0: {  	s6 =	simm.s32 $_size__tile_overlayer_lowered;
	s7 =	simm.s32 $_tile_overlayer_lowered  }
0xa1: {  	s22 =	simm.s32 $0x1BFF;
	s21 =	sshll.u32 s7, $0x1;
	s4 =	sadd.s32 s5, s19  }
0xa2: {  	s8 =	simm.s32 $0x0;
	s20 =	sshll.u32 s6, $0x1;
	s6 =	sadd.s32 s21, s4  }
0xa3: {  	[timem:s8], [sflag:s22] =	dma.local [hbm:s6], s20  }
0xa4: {  	_ =	swait.ge [sflag:s22], s20  }
0xa5: {  	s5 =	ssub.s32 $0x0, s20;
	[sflag:s22] =	ssyncset.done $0x0  }
0xa6: {  	[sflag:s22] =	ssyncadd.s32 s5;
	_ =	sdelay $0x1  }
0xa7: {  	s23 =	simm.s32 $0x1B8B  }
0xa8: {  	_ =	swait.ge [sflag:s23], $0x1  }
0xa9: {  	[sflag:s23] =	ssyncset.done $0x0  }
0xaa: {  	s25 =	simm.s32 $0x1B8E;
	s24 =	sld [smem:$0x3FFE];
	[sflag:s23] =	ssyncadd.s32 $0xFFFFFFFF  }
0xab: {  	s26 =	simm.s32 $execute0_lowered;
	[smem:$0x3FD2] =	sst s25  }
0xac: {  	s6 =	sshll.u32 s26, $0x1;
	_ =	strace $0x8000004F;
	[dreg:$0x1] =	wrdreg $0xFFFFFFFF  }
0xad: {  	s28 =	simm.s32 $_size_execute0_lowered;
	s4 =	sadd.s32 s4, s6;
	[dreg:$0x0] =	wrdreg $0x0  }
0xae: {  	s6 =	sshll.u32 s28, $0x1;
	[dreg:$0x2] =	wrdreg s4  }
0xaf: {  	[dreg:$0x3] =	wrdreg s6  }
0xb0: {  	[dreg:$0x4] =	wrdreg $0xC0  }
0xb1: {  	_ =	task [dreg:s8], $0x5FFFF  }
0xb2: {  	[dreg:$0x1] =	wrdreg $0xFFFFFFFF  }
0xb3: {  	[dreg:$0x0] =	wrdreg $0x60  }
0xb4: {  	[dreg:$0x2] =	wrdreg s24  }
0xb5: {  	[dreg:$0x3] =	wrdreg s16  }
0xb6: {  	[dreg:$0x4] =	wrdreg s17  }
0xb7: {  	[dreg:$0x5] =	wrdreg $0x90000  }
0xb8: {  	[dreg:$0x6] =	wrdreg $0x9  }
0xb9: {  	_ =	task.clear_ibuf [dreg:s8], $0x7FFFF;
	_ =	strace $0x9000004F  }
0xba: {  	s29 =	simm.s32 $0x9;
	_ =	strace $0x80000051  }
0xbb: {  	_ =	swait.ge [sflag:s29], $0x1  }
0xbc: {  	[sflag:s29] =	ssyncadd.s32 $0xFFFFFFFF  }
0xbd: {  	_ =	strace $0x90000051  }
0xbe: {  	_ =	sfence  }
0xbf: {  	s30 =	sld [smem:$0x0];
	_ =	sdelay $0x2  }
0xc0: {  	s31 =	sshll.u32 s1, $0xD;
	s1 =	sshrl.u32 s1, $0x2  }
0xc1: {  	s3 =	sand.u32 $0x4000, s31;
	s1 =	sadd.s32 s1, s30  }
0xc2: {  	s0 =	sor.u32 s3, s0;
	s1 =	sshll.u32 s1, $0x11  }
0xc3: {  	s0 =	sor.u32 s1, s0  }
0xc4: {  	s0 =	sadd.s32 $0x8F2B, s0  }
0xc5: {  	[sflag:s0] =	ssyncadd.remote.s32 $0x1  }
0xc6: {  	_ =	sfence.sel $0xFFFF  }
0xc7: {  	[dreg:$0x0] =	wrdreg $0xFFFFFFFF;
	(pc) =	sbr.abs _section_cstart, $3  }
0xc8: {  	[dreg:$0x1] =	wrdreg $0xFFFFFFFF  }
0xc9: {  	_ =	task.clear_ibuf [dreg:s8], $0x2FFFF;
	_ =	strace $0x9FFFFFFF  }
0xca: {  	(tm) =	ssettm $0x7FFFFFFF  }
0xcb: {  	_ =	shalt  }
tec
execute0_lowered:
.L_overlay_start_1:
0x0: {  	(tag) =	ssettag $0x1  }
0x1: {  	s6 =	rddreg [dreg:$0x0]  }
0x2: {  	s7 =	rddreg [dreg:$0x1]  }
0x3: {  	s8 =	rddreg [dreg:$0x2];
	s0 =	srdreg.scid  }
0x4: {  	s2 =	rddreg [dreg:$0x3];
	s1 =	stileid.u32  }
0x5: {  	s3 =	simm.s32 $0x0;
	s14 =	simm.s32 $0x80;
	s15 =	simm.s32 $0x5000  }
0x6: {  	s16 =	simm.s32 $0x0;
	s9 =	sand.u32 $0x1, s0;
	s0 =	rddreg [dreg:$0x4]  }
0x7: {  	s10 =	smul.u32 $0x14000, s1;
	[smem:$0x7FF] =	sst s3;
	s4 =	sadd.s32 $0x5800, s6  }
0x8: {  	s11 =	sshll.u32 s1, $0x1;
	s13 =	smul.u32 $0x50000, s1;
	s31 =	sshll.u32 s1, $0x6  }
0x9: {  	s5 =	smul.u32 $0x140000, s9;
	s12 =	ssub.s32 $0x2, s9;
	s9 =	sor.u32 s9, s11  }
0xa: {  	_ =	strace $0x80000050;
	s28 =	sshrl.u32 s12, $0x1;
	s9 =	smul.u32 $0x500, s9  }
0xb: {  	s30 =	sshrl.u32 s13, $0x2;
	s10 =	sadd.s32 s10, s5;
	s5 =	sadd.s32 $0x3000, s6  }
0xc: {  	s29 =	ssub.s32 s12, s28;
	s13 =	sadd.s32 s30, s2;
	s12 =	simm.s32 $0x1  }
0xd: {  	s10 =	sshrl.u32 s10, $0x3;
	s7 =	sadd.s32 s7, s9;
	s8 =	sadd.s32 s8, s9  }
0xe: {  	s11 =	sshrl.u32 s13, $0x3;
	s13 =	simm.s32 $0x2800;
	s10 =	sadd.s32 s10, s6  }
0xf: {  	s6 =	sor.u32 $0x1C01, s31;
	s9 =	sadd.s32 $0x2D800, s10;
	s10 =	smax.u32 s29, $0x1  }
.LBB2_1:
0x10: {  	[spmem:s11], [sflag:s6] =	dma.local [hbm:s5], $0x2800  }
0x11: {  	_ =	swait.ge [sflag:s12], $0x2800  }
0x12: {  	[sflag:s12] =	ssyncset.done $0x0  }
0x13: {  	[sflag:s12] =	ssyncadd.s32 $0xFFFFD800  }
0x14: {  	[tilespmem:s3], [sflag:$0x1] =	stream.linear.gather [hbm4b:s7+s3], $0x2780, $0x38;
	[tilespmem:$0x1D000] =	vst v63  }
0x15: {  	_ =	swait.ge [sflag:s12], $0x2780  }
0x16: {  	[sflag:s12] =	ssyncset.done $0x0  }
0x17: {  	[sflag:s12] =	ssyncadd.s32 $0xFFFFD880  }
0x18: {  	[tilespmem:s13], [sflag:$0x1] =	stream.linear.gather [hbm4b:s8+s3], $0x2780, $0x38;
	[tilespmem:$0x1D000] =	vst v63  }
0x19: {  	_ =	swait.ge [sflag:s12], $0x2780  }
0x1a: {  	[sflag:s12] =	ssyncset.done $0x0  }
0x1b: {  	[sflag:s12] =	ssyncadd.s32 $0xFFFFD880  }
0x1c: {  	s17 =	simm.s32 $0x0;
	[bflag:$0x0] =	sbarrier.arrive $0xFFFF  }
0x1d: {  	[tilespmem:s15], [sflag:$0x1] =	stream.indirect.gather [hbm4b:s4+s14], $0x80, s17, s14, $0xb8;
	[tilespmem:$0x1D000] =	vst v63  }
0x1e: {  	_ =	swait.ge [sflag:s12], $0x4000  }
0x1f: {  	[sflag:s12] =	ssyncset.done $0x0  }
0x20: {  	s31 =	simm.s32 $0x2800;
	[sflag:s12] =	ssyncadd.s32 $0xFFFFC000  }
0x21: {  	[spmem:s2] =	stream.indirect.scatter.add.f32 [tilespmem:s15], [sflag:$0x1], $0x80, s31, s14, $0xb8;
	[tilespmem:$0x1D000] =	vst v63  }
0x22: {  	_ =	swait.ge [sflag:s12], $0x4000  }
0x23: {  	s18 =	simm.s32 $0x400;
	s17 =	simm.s32 $0x200;
	[sflag:s12] =	ssyncset.done $0x0  }
.LBB2_2:
0x24: {  	s19 =	sshra.s32 s17, $0x2  }
0x25: {  	[sflag:s12] =	ssyncadd.s32 $0xFFFFC000;
	s17 =	smov.u32 s18;
	s20 =	sadd.s32 $0x200, s18  }
0x26: {  	[tilespmem:s15], [sflag:$0x1] =	stream.indirect.gather [hbm4b:s4+s14], $0x80, s19, s14, $0xb8;
	[tilespmem:$0x1D000] =	vst v63  }
0x27: {  	p0 =	sne.s32 s18, $0x9C00;
	_ =	swait.ge [sflag:s12], $0x4000  }
.Ltmp0:
0x28: {  	[sflag:s12] =	ssyncset.done $0x0;
	(pc) =	sbr.rel @p0 .LBB2_2-.Ltmp0, $4  }
0x29: {  	s18 =	sadd.s32 $0x2800, s19;
	[sflag:s12] =	ssyncadd.s32 $0xFFFFC000  }
0x2a: {  	[spmem:s2] =	stream.indirect.scatter.add.f32 [tilespmem:s15], [sflag:$0x1], $0x80, s18, s14, $0xb8;
	[tilespmem:$0x1D000] =	vst v63  }
0x2b: {  	_ =	swait.ge [sflag:s12], $0x4000  }
0x2c: {  	s18 =	smov.u32 s20;
	[sflag:s12] =	ssyncset.done $0x0  }
0x2d: {  	s17 =	sshra.s32 s17, $0x2;
	[sflag:s12] =	ssyncadd.s32 $0xFFFFC000  }
0x2e: {  	[tilespmem:s15], [sflag:$0x1] =	stream.indirect.gather [hbm4b:s4+s14], $0x80, s17, s14, $0xb8;
	[tilespmem:$0x1D000] =	vst v63  }
0x2f: {  	_ =	swait.ge [sflag:s12], $0x4000  }
0x30: {  	[sflag:s12] =	ssyncset.done $0x0  }
0x31: {  	s17 =	sadd.s32 $0x2800, s17;
	[sflag:s12] =	ssyncadd.s32 $0xFFFFC000  }
0x32: {  	[spmem:s2] =	stream.indirect.scatter.add.f32 [tilespmem:s15], [sflag:$0x1], $0x80, s17, s14, $0xb8;
	[tilespmem:$0x1D000] =	vst v63  }
0x33: {  	_ =	swait.ge [sflag:s12], $0x4000  }
0x34: {  	s16 =	sadd.s32 $0x1, s16;
	[sflag:s12] =	ssyncset.done $0x0  }
0x35: {  	p0 =	sne.s32 s16, s10;
	[sflag:s12] =	ssyncadd.s32 $0xFFFFC000  }
.Ltmp1:
0x36: {  	[bflag:$0x0] =	sbarrier.arrive $0xFFFF;
	(pc) =	sbr.rel @p0 .LBB2_1-.Ltmp1, $4  }
0x37: {  	[hbm:s9], [sflag:s6] =	dma.local [spmem:s11], $0x2800  }
0x38: {  	_ =	swait.ge [sflag:s12], $0x2800  }
0x39: {  	[sflag:s12] =	ssyncset.done $0x0  }
0x3a: {  	[sflag:s12] =	ssyncadd.s32 $0xFFFFD800  }
0x3b: {  	_ =	sfence.sel $0x180000  }
0x3c: {  	[bflag:$0x0] =	sbarrier.arrive $0xFFFF  }
0x3d: {  	p0 =	sne.s32 s1, $0x0;
	_ =	strace $0x90000050  }
0x3e: {  	s0 =	sadd.s32 @!p0 $0x100000, s0;
	[bflag:$0x2] =	sbarrier.arrive $0xFFFF  }
0x3f: {  	[sflag:s0] =	ssyncadd.tile.s32 @!p0 $0x1;
	_ =	shalt  }
.Lfunc_end2:
_tile_overlayer_lowered:
.L_overlay_start_2:
0x40: {  	(tag) =	ssettag $0x2  }
0x41: {  	s0 =	rddreg [dreg:$0x0];
	s2 =	stileid.u32  }
0x42: {  	s1 =	rddreg [dreg:$0x1];
	p0 =	sne.s32 s2, $0x0  }
0x43: {  	s3 =	rddreg [dreg:$0x2];
	[bflag:$0x3] =	sbarrier.arrive $0xFFFF;
	s2 =	simm.s32 @!p0 $0x1C01  }
0x44: {  	[timem:s3], [sflag:s2] =	dma.local @!p0 [hbm:s0], s1  }
0x45: {  	s0 =	simm.s32 @!p0 $0x1  }
0x46: {  	_ =	swait.ge @!p0 [sflag:s0], s1  }
0x47: {  	s1 =	ssub.s32 @!p0 $0x0, s1;
	[sflag:s0] =	ssyncset.done @!p0 $0x0  }
0x48: {  	[sflag:s0] =	ssyncadd.s32 @!p0 s1  }
0x49: {  	[bflag:$0x3] =	sbarrier.arrive $0xFFFF  }
0x4a: {  	_ =	shalt  }

</sc_bundles>
